<compile_context>
chip_gen: v7x
topology: tpu7x:2x2x1
jax: 0.10.2.dev20260603
libtpu: 0.0.44.dev20260713+nightly
codegen_flags: <defaults>
</compile_context>

<pallas_src>
import functools

import jax
import jax.numpy as jnp
from jax import lax
from jax.experimental import pallas as pl
from jax.experimental.pallas import tpu as pltpu
from jax.experimental.pallas import tpu_sc as plsc

N_NODES = 10000
N_EDGES = 320000
D_FEAT = 128

NUM_CORES = 2
NUM_SUBCORES = 16
NUM_TILES = NUM_CORES * NUM_SUBCORES

CHUNK = 80
EDGES_PER_TILE = N_EDGES // NUM_TILES
TOTAL_CHUNKS = EDGES_PER_TILE // CHUNK
NBUF = 3
LOOKAHEAD = 2
MAIN_CHUNKS = ((TOTAL_CHUNKS - LOOKAHEAD) // NBUF) * NBUF
BLOCK_ROWS = 80
NUM_BLOCKS = N_NODES // BLOCK_ROWS


def _transpose_body(x_ref, o_ref):
    o_ref[...] = x_ref[...].T


def _to_node_major(state):
    return pl.pallas_call(
        _transpose_body,
        out_shape=jax.ShapeDtypeStruct((N_NODES, D_FEAT), jnp.float32),
    )(state)


def _combine_body(p_ref, o_ref):
    o_ref[...] = (p_ref[0] + p_ref[1]).T


def _combine(partials):
    return pl.pallas_call(
        _combine_body,
        out_shape=jax.ShapeDtypeStruct((D_FEAT, N_NODES), jnp.float32),
    )(partials)


def _sc_scatter_add(state_nd, src1d, dst1d):
    mesh = plsc.VectorSubcoreMesh(core_axis_name="c", subcore_axis_name="s")

    @functools.partial(
        pl.kernel,
        out_type=jax.ShapeDtypeStruct((NUM_CORES, N_NODES, D_FEAT), jnp.float32),
        mesh=mesh,
        scratch_types=[
            pltpu.VMEM((EDGES_PER_TILE,), jnp.int32),
            pltpu.VMEM((EDGES_PER_TILE,), jnp.int32),
        ] + [
            pltpu.VMEM((CHUNK, D_FEAT), jnp.float32) for _ in range(NBUF)
        ] + [
            pltpu.VMEM_SHARED((N_NODES, D_FEAT), jnp.float32),
        ] + [pltpu.SemaphoreType.DMA for _ in range(2 * NBUF + 2)],
    )
    def k(state_hbm, src_hbm, dst_hbm, out_hbm, src_v, dst_v, *rest):
        rows = rest[:NBUF]
        acc_sh = rest[NBUF]
        gsem = rest[NBUF + 1:2 * NBUF + 1]
        ssem = rest[2 * NBUF + 1:3 * NBUF + 1]
        isem = rest[3 * NBUF + 1:3 * NBUF + 3]
        c = lax.axis_index("c")
        s = lax.axis_index("s")
        wid = c * NUM_SUBCORES + s

        def gather_start(jj, b):
            pltpu.async_copy(
                state_hbm.at[src_v.at[pl.ds(jj * CHUNK, CHUNK)]],
                rows[b], gsem[b])

        def gather_wait(jj, b):
            pltpu.make_async_copy(
                state_hbm.at[src_v.at[pl.ds(jj * CHUNK, CHUNK)]],
                rows[b], gsem[b]).wait()

        def scatter_start(jj, b):
            pltpu.async_copy(
                rows[b], acc_sh.at[dst_v.at[pl.ds(jj * CHUNK, CHUNK)]],
                ssem[b], add=True)

        def scatter_wait(jj, b):
            pltpu.make_async_copy(
                rows[b], acc_sh.at[dst_v.at[pl.ds(jj * CHUNK, CHUNK)]],
                ssem[b]).wait()

        e0 = wid * EDGES_PER_TILE
        idx_src = pltpu.async_copy(
            src_hbm.at[pl.ds(e0, EDGES_PER_TILE)], src_v, isem[0])
        idx_dst = pltpu.async_copy(
            dst_hbm.at[pl.ds(e0, EDGES_PER_TILE)], dst_v, isem[1])

        @pl.loop(0, BLOCK_ROWS)
        def _(r):
            @pl.loop(0, D_FEAT, step=16)
            def _(k16):
                rows[0][r, pl.ds(k16, 16)] = jnp.zeros((16,), jnp.float32)

        idx_src.wait()

        for jj in range(LOOKAHEAD):
            gather_start(jj, jj + 1)

        @pl.loop(0, NUM_BLOCKS)
        def _(b):
            @pl.when(lax.rem(b, NUM_SUBCORES) == s)
            def _():
                pltpu.sync_copy(
                    rows[0].at[pl.ds(0, BLOCK_ROWS)],
                    acc_sh.at[pl.ds(b * BLOCK_ROWS, BLOCK_ROWS)])

        idx_dst.wait()
        plsc.subcore_barrier()

        @pl.loop(0, MAIN_CHUNKS, step=NBUF)
        def _(j):
            for b in range(NBUF):
                jj = j + b
                rb = (b + 1) % NBUF
                gather_wait(jj, rb)
                scatter_start(jj, rb)
                bf = (b + LOOKAHEAD + 1) % NBUF
                f = jj + LOOKAHEAD

                @pl.when(f >= NBUF)
                def _():
                    scatter_wait(f - NBUF, bf)

                gather_start(f, bf)

        for jj in range(MAIN_CHUNKS, TOTAL_CHUNKS):
            b = (jj + 1) % NBUF
            gather_wait(jj, b)
            scatter_start(jj, b)
            f = jj + LOOKAHEAD
            if f < TOTAL_CHUNKS:
                bf = (f + 1) % NBUF
                scatter_wait(f - NBUF, bf)
                gather_start(f, bf)

        for jj in range(TOTAL_CHUNKS - NBUF, TOTAL_CHUNKS):
            scatter_wait(jj, (jj + 1) % NBUF)

        plsc.subcore_barrier()

        def out_start(b, i):
            r0 = b * BLOCK_ROWS
            pltpu.async_copy(acc_sh.at[pl.ds(r0, BLOCK_ROWS)],
                             out_hbm.at[c].at[pl.ds(r0, BLOCK_ROWS)],
                             gsem[i % NBUF])

        def out_wait(b, i):
            r0 = b * BLOCK_ROWS
            pltpu.make_async_copy(acc_sh.at[pl.ds(r0, BLOCK_ROWS)],
                                  out_hbm.at[c].at[pl.ds(r0, BLOCK_ROWS)],
                                  gsem[i % NBUF]).wait()

        per_tile = (NUM_BLOCKS + NUM_SUBCORES - 1) // NUM_SUBCORES
        for i in range(per_tile):
            blk = i * NUM_SUBCORES + s
            if i >= NBUF:
                out_wait((i - NBUF) * NUM_SUBCORES + s, i - NBUF)
            if i < per_tile - 1:
                out_start(blk, i)
            else:
                @pl.when(blk < NUM_BLOCKS)
                def _():
                    out_start(blk, i)

        for i in range(per_tile - NBUF, per_tile):
            blk = i * NUM_SUBCORES + s
            if i < per_tile - 1:
                out_wait(blk, i)
            else:
                @pl.when(blk < NUM_BLOCKS)
                def _():
                    out_wait(blk, i)

    return k(state_nd, src1d, dst1d)


def kernel(state, edge_index):
    state_nd = _to_node_major(state)
    partials = _sc_scatter_add(state_nd, edge_index[0], edge_index[1])
    return _combine(partials)

# --- scband reference (transcript-rebuilt; emitter-appended) ---
"""Pipeline reference for scband-updater-45595372814771 (READ-ONLY COPY).

The authoritative reference and input builder live on the scoring server;
editing this copy changes nothing except your own understanding.
"""

import jax, jax.numpy as jnp
import numpy as np

N_NODES = 10000
N_EDGES = 320000
D_FEAT = 128


def setup_inputs(seed: int = 0) -> dict:
    key = jax.random.key(seed)
    k1, k2 = jax.random.split(key)
    state = jax.random.normal(k1, (D_FEAT, N_NODES), dtype=jnp.float32)
    edge_index = jax.random.randint(k2, (2, N_EDGES), 0, N_NODES, dtype=jnp.int32)
    return {"state": state, "edge_index": edge_index}


def reference(state, edge_index):
    # Faithful translation of Updater.aggregate(state, aggr='add', weight=None):
    #   state = state.transpose(0, 1)           -> [N, d_feat]
    #   src, dst = edge_index
    #   msg = state[src]                         -> gather  [E, d_feat]
    #   out = scatter(msg, dst, reduce='add')    -> scatter-add [N, d_feat]
    #   return out.transpose(0, 1)               -> [d_feat, N]
    s = jnp.transpose(state)  # [N, d_feat]
    src = edge_index[0]
    dst = edge_index[1]
    msg = jnp.take(s, src, axis=0)  # gather over source nodes
    out = jax.ops.segment_sum(msg, dst, num_segments=s.shape[0])  # scatter-add by dst
    return jnp.transpose(out)  # [d_feat, N]

if __name__ == "__main__":
    import jax
    _d = setup_inputs()
    print(jax.jit(kernel)(*tuple(_d.values())))

</pallas_src>

<mosaic_0001>
#map = affine_map<(d0, d1) -> (0, 0)>
#map1 = affine_map<(d0, d1) -> (0)>
#map2 = affine_map<(d0, d1) -> (0, 0, 0)>
module attributes {stable_mosaic.version = 14 : i64} {
  func.func @k(%arg0: i32, %arg1: i32, %arg2: memref<10000x128xf32, #tpu.memory_space<hbm>>, %arg3: memref<320000xi32, #tpu.memory_space<hbm>>, %arg4: memref<320000xi32, #tpu.memory_space<hbm>>, %arg5: memref<2x10000x128xf32, #tpu.memory_space<hbm>>, %arg6: memref<10000xi32, #tpu.memory_space<vmem>>, %arg7: memref<10000xi32, #tpu.memory_space<vmem>>, %arg8: memref<80x128xf32, #tpu.memory_space<vmem>>, %arg9: memref<80x128xf32, #tpu.memory_space<vmem>>, %arg10: memref<80x128xf32, #tpu.memory_space<vmem>>, %arg11: memref<10000x128xf32, #tpu.memory_space<vmem_shared>>, %arg12: memref<!tpu.dma_semaphore, #tpu.memory_space<semaphore_mem>>, %arg13: memref<!tpu.dma_semaphore, #tpu.memory_space<semaphore_mem>>, %arg14: memref<!tpu.dma_semaphore, #tpu.memory_space<semaphore_mem>>, %arg15: memref<!tpu.dma_semaphore, #tpu.memory_space<semaphore_mem>>, %arg16: memref<!tpu.dma_semaphore, #tpu.memory_space<semaphore_mem>>, %arg17: memref<!tpu.dma_semaphore, #tpu.memory_space<semaphore_mem>>, %arg18: memref<!tpu.dma_semaphore, #tpu.memory_space<semaphore_mem>>, %arg19: memref<!tpu.dma_semaphore, #tpu.memory_space<semaphore_mem>>) attributes {dimension_semantics = [#tpu.dimension_semantics<core_parallel>, #tpu.dimension_semantics<subcore_parallel>], iteration_bounds = array<i64: 2, 16>, scalar_prefetch = 0 : i64, scratch_operands = 14 : i64, tpu.core_type = #tpu.core_type<sc_vector_subcore>, window_params = [{transform_indices = #map}, {transform_indices = #map1}, {transform_indices = #map1}, {transform_indices = #map2}]} {
    %mul3A = arith.constant 16 : i32
    %mul3A_0 = arith.muli %arg0, %mul3A : i32
    %add3A = arith.addi %mul3A_0, %arg1 : i32
    %mul3A_1 = arith.constant 10000 : i32
    %mul3A_2 = arith.muli %add3A, %mul3A_1 : i32
    %dma_start3A = tpu.memref_slice %arg3[%mul3A_2] : memref<320000xi32, #tpu.memory_space<hbm>> -> memref<10000xi32, #tpu.memory_space<hbm>>
    %dma_start3A_3 = tpu.memref_slice %arg3[%mul3A_2] : memref<320000xi32, #tpu.memory_space<hbm>> -> memref<10000xi32, #tpu.memory_space<hbm>>
    tpu.enqueue_dma source(%dma_start3A_3 : memref<10000xi32, #tpu.memory_space<hbm>>) target(%arg6 : memref<10000xi32, #tpu.memory_space<vmem>>) target_semaphore(%arg18 : memref<!tpu.dma_semaphore, #tpu.memory_space<semaphore_mem>>)
    %dma_start3A_4 = tpu.memref_slice %arg4[%mul3A_2] : memref<320000xi32, #tpu.memory_space<hbm>> -> memref<10000xi32, #tpu.memory_space<hbm>>
    %dma_start3A_5 = tpu.memref_slice %arg4[%mul3A_2] : memref<320000xi32, #tpu.memory_space<hbm>> -> memref<10000xi32, #tpu.memory_space<hbm>>
    tpu.enqueue_dma source(%dma_start3A_5 : memref<10000xi32, #tpu.memory_space<hbm>>) target(%arg7 : memref<10000xi32, #tpu.memory_space<vmem>>) target_semaphore(%arg19 : memref<!tpu.dma_semaphore, #tpu.memory_space<semaphore_mem>>)
    %scan3A = arith.constant 0 : i32
    %scan3A_6 = arith.constant 80 : i32
    %scan3A_7 = arith.addi %scan3A, %scan3A_6 : i32
    %scan3A_8 = arith.constant 1 : i32
    scf.for %scan3A_248 = %scan3A to %scan3A_7 step %scan3A_8  : i32 {
      %mul3A_249 = arith.constant 1 : i32
      %mul3A_250 = arith.muli %scan3A_248, %mul3A_249 : i32
      %add3A_251 = arith.constant 0 : i32
      %add3A_252 = arith.addi %add3A_251, %mul3A_250 : i32
      %scan3A_253 = arith.constant 0 : i32
      %scan3A_254 = arith.constant 8 : i32
      %scan3A_255 = arith.addi %scan3A_253, %scan3A_254 : i32
      %scan3A_256 = arith.constant 1 : i32
      scf.for %scan3A_258 = %scan3A_253 to %scan3A_255 step %scan3A_256  : i32 {
        %mul3A_259 = arith.constant 16 : i32
        %mul3A_260 = arith.muli %scan3A_258, %mul3A_259 : i32
        %add3A_261 = arith.constant 0 : i32
        %add3A_262 = arith.addi %add3A_261, %mul3A_260 : i32
        %broadcast_in_dim3A = arith.constant 0.000000e+00 : f32
        %broadcast_in_dim3A_263 = vector.broadcast %broadcast_in_dim3A : f32 to vector<16xf32>
        %swap3A = arith.index_cast %add3A_252 : i32 to index
        %swap3A_264 = arith.index_cast %add3A_262 : i32 to index
        %swap3A_265 = tpu.vector_load %arg8[%swap3A, %swap3A_264] {strides = array<i32>} : memref<80x128xf32, #tpu.memory_space<vmem>>, vector<1x16xf32>,
        %swap3A_266 = vector.shape_cast %swap3A_265 : vector<1x16xf32> to vector<16xf32>
        %swap3A_267 = vector.shape_cast %broadcast_in_dim3A_263 : vector<16xf32> to vector<1x16xf32>
        tpu.vector_store %arg8[%swap3A, %swap3A_264], %swap3A_267 {strides = array<i32>} : memref<80x128xf32, #tpu.memory_space<vmem>>, vector<1x16xf32>,
      }
      %scan3A_257 = arith.constant 8 : i32
    }
    %scan3A_9 = arith.constant 80 : i32
    %dma_wait3A = tpu.memref_slice %arg3[%mul3A_2] : memref<320000xi32, #tpu.memory_space<hbm>> -> memref<10000xi32, #tpu.memory_space<hbm>>
    %dma_wait3A_10 = tpu.memref_slice %arg3[%mul3A_2] : memref<320000xi32, #tpu.memory_space<hbm>> -> memref<10000xi32, #tpu.memory_space<hbm>>
    tpu.wait_dma2 semaphore(%arg18 : memref<!tpu.dma_semaphore, #tpu.memory_space<semaphore_mem>>) src(%dma_wait3A_10 : memref<10000xi32, #tpu.memory_space<hbm>>) dst(%arg6 : memref<10000xi32, #tpu.memory_space<vmem>>)
    %dma_start3A_11 = arith.constant 0 : i32
    %dma_start3A_12 = tpu.memref_slice %arg6[%dma_start3A_11] : memref<10000xi32, #tpu.memory_space<vmem>> -> memref<80xi32, #tpu.memory_space<vmem>>
    %dma_start3A_13 = arith.constant 0 : i32
    %dma_start3A_14 = arith.constant 0 : i32
    %dma_start3A_15 = tpu.memref_slice %arg2[%dma_start3A_13, %dma_start3A_14] : memref<10000x128xf32, #tpu.memory_space<hbm>> -> memref<10000x128xf32, #tpu.memory_space<hbm>>
    tpu.enqueue_indirect_dma source(%dma_start3A_15 : memref<10000x128xf32, #tpu.memory_space<hbm>>) target(%arg9 : memref<80x128xf32, #tpu.memory_space<vmem>>) offsets(%dma_start3A_12 : memref<80xi32, #tpu.memory_space<vmem>>) semaphore(%arg13 : memref<!tpu.dma_semaphore, #tpu.memory_space<semaphore_mem>>)
    %dma_start3A_16 = arith.constant 80 : i32
    %dma_start3A_17 = tpu.memref_slice %arg6[%dma_start3A_16] : memref<10000xi32, #tpu.memory_space<vmem>> -> memref<80xi32, #tpu.memory_space<vmem>>
    %dma_start3A_18 = arith.constant 0 : i32
    %dma_start3A_19 = arith.constant 0 : i32
    %dma_start3A_20 = tpu.memref_slice %arg2[%dma_start3A_18, %dma_start3A_19] : memref<10000x128xf32, #tpu.memory_space<hbm>> -> memref<10000x128xf32, #tpu.memory_space<hbm>>
    tpu.enqueue_indirect_dma source(%dma_start3A_20 : memref<10000x128xf32, #tpu.memory_space<hbm>>) target(%arg10 : memref<80x128xf32, #tpu.memory_space<vmem>>) offsets(%dma_start3A_17 : memref<80xi32, #tpu.memory_space<vmem>>) semaphore(%arg14 : memref<!tpu.dma_semaphore, #tpu.memory_space<semaphore_mem>>)
    %scan3A_21 = arith.constant 0 : i32
    %scan3A_22 = arith.constant 125 : i32
    %scan3A_23 = arith.addi %scan3A_21, %scan3A_22 : i32
    %scan3A_24 = arith.constant 1 : i32
    scf.for %scan3A_248 = %scan3A_21 to %scan3A_23 step %scan3A_24  : i32 {
      %mul3A_249 = arith.constant 1 : i32
      %mul3A_250 = arith.muli %scan3A_248, %mul3A_249 : i32
      %add3A_251 = arith.constant 0 : i32
      %add3A_252 = arith.addi %add3A_251, %mul3A_250 : i32
      %rem3A = arith.constant 16 : i32
      %rem3A_253 = arith.remsi %add3A_252, %rem3A : i32
      %eq3A = arith.cmpi eq, %rem3A_253, %arg1 : i32
      %convert_element_type3A_254 = arith.extui %eq3A : i1 to i32
      %cond3A_255 = arith.constant 0 : i32
      %cond3A_256 = arith.cmpi ne, %convert_element_type3A_254, %cond3A_255 : i32
      scf.if %cond3A_256 {
        %mul3A_257 = arith.constant 80 : i32
        %mul3A_258 = arith.muli %add3A_252, %mul3A_257 : i32
        "tpu.region"() ({
          %run_scoped3A = tpu.sem_alloc : memref<!tpu.dma_semaphore, #tpu.memory_space<semaphore_mem>>
          %dma_start3A_259 = arith.constant 0 : i32
          %dma_start3A_260 = arith.constant 0 : i32
          %dma_start3A_261 = tpu.memref_slice %arg8[%dma_start3A_259, %dma_start3A_260] : memref<80x128xf32, #tpu.memory_space<vmem>> -> memref<80x128xf32, #tpu.memory_space<vmem>>
          %dma_start3A_262 = arith.constant 0 : i32
          %dma_start3A_263 = tpu.memref_slice %arg11[%mul3A_258, %dma_start3A_262] : memref<10000x128xf32, #tpu.memory_space<vmem_shared>> -> memref<80x128xf32, #tpu.memory_space<vmem_shared>>
          %dma_start3A_264 = arith.constant 0 : i32
          %dma_start3A_265 = tpu.memref_slice %arg11[%mul3A_258, %dma_start3A_264] : memref<10000x128xf32, #tpu.memory_space<vmem_shared>> -> memref<80x128xf32, #tpu.memory_space<vmem_shared>>
          %dma_start3A_266 = arith.constant 0 : i32
          %dma_start3A_267 = arith.constant 0 : i32
          %dma_start3A_268 = tpu.memref_slice %arg8[%dma_start3A_266, %dma_start3A_267] : memref<80x128xf32, #tpu.memory_space<vmem>> -> memref<80x128xf32, #tpu.memory_space<vmem>>
          tpu.enqueue_dma source(%dma_start3A_268 : memref<80x128xf32, #tpu.memory_space<vmem>>) target(%dma_start3A_265 : memref<80x128xf32, #tpu.memory_space<vmem_shared>>) target_semaphore(%run_scoped3A : memref<!tpu.dma_semaphore, #tpu.memory_space<semaphore_mem>>)
          %dma_wait3A_269 = arith.constant 0 : i32
          %dma_wait3A_270 = arith.constant 0 : i32
          %dma_wait3A_271 = tpu.memref_slice %arg8[%dma_wait3A_269, %dma_wait3A_270] : memref<80x128xf32, #tpu.memory_space<vmem>> -> memref<80x128xf32, #tpu.memory_space<vmem>>
          %dma_wait3A_272 = arith.constant 0 : i32
          %dma_wait3A_273 = tpu.memref_slice %arg11[%mul3A_258, %dma_wait3A_272] : memref<10000x128xf32, #tpu.memory_space<vmem_shared>> -> memref<80x128xf32, #tpu.memory_space<vmem_shared>>
          %dma_wait3A_274 = arith.constant 0 : i32
          %dma_wait3A_275 = tpu.memref_slice %arg11[%mul3A_258, %dma_wait3A_274] : memref<10000x128xf32, #tpu.memory_space<vmem_shared>> -> memref<80x128xf32, #tpu.memory_space<vmem_shared>>
          %dma_wait3A_276 = arith.constant 0 : i32
          %dma_wait3A_277 = arith.constant 0 : i32
          %dma_wait3A_278 = tpu.memref_slice %arg8[%dma_wait3A_276, %dma_wait3A_277] : memref<80x128xf32, #tpu.memory_space<vmem>> -> memref<80x128xf32, #tpu.memory_space<vmem>>
          tpu.wait_dma2 semaphore(%run_scoped3A : memref<!tpu.dma_semaphore, #tpu.memory_space<semaphore_mem>>) src(%dma_wait3A_278 : memref<80x128xf32, #tpu.memory_space<vmem>>) dst(%dma_wait3A_275 : memref<80x128xf32, #tpu.memory_space<vmem_shared>>)
          tpu.yield
        }) : () -> ()
      } else {
      }
    }
    %scan3A_25 = arith.constant 125 : i32
    %dma_wait3A_26 = tpu.memref_slice %arg4[%mul3A_2] : memref<320000xi32, #tpu.memory_space<hbm>> -> memref<10000xi32, #tpu.memory_space<hbm>>
    %dma_wait3A_27 = tpu.memref_slice %arg4[%mul3A_2] : memref<320000xi32, #tpu.memory_space<hbm>> -> memref<10000xi32, #tpu.memory_space<hbm>>
    tpu.wait_dma2 semaphore(%arg19 : memref<!tpu.dma_semaphore, #tpu.memory_space<semaphore_mem>>) src(%dma_wait3A_27 : memref<10000xi32, #tpu.memory_space<hbm>>) dst(%arg7 : memref<10000xi32, #tpu.memory_space<vmem>>)
    %barrier3A = arith.constant 0 : index
    tpu.barrier barrier_id(%barrier3A)
    %scan3A_28 = arith.constant 0 : i32
    %scan3A_29 = arith.constant 41 : i32
    %scan3A_30 = arith.addi %scan3A_28, %scan3A_29 : i32
    %scan3A_31 = arith.constant 1 : i32
    scf.for %scan3A_248 = %scan3A_28 to %scan3A_30 step %scan3A_31  : i32 {
      %mul3A_249 = arith.constant 3 : i32
      %mul3A_250 = arith.muli %scan3A_248, %mul3A_249 : i32
      %add3A_251 = arith.constant 0 : i32
      %add3A_252 = arith.addi %add3A_251, %mul3A_250 : i32
      %add3A_253 = arith.constant 0 : i32
      %add3A_254 = arith.addi %add3A_252, %add3A_253 : i32
      %mul3A_255 = arith.constant 80 : i32
      %mul3A_256 = arith.muli %add3A_254, %mul3A_255 : i32
      %dma_wait3A_257 = tpu.memref_slice %arg6[%mul3A_256] : memref<10000xi32, #tpu.memory_space<vmem>> -> memref<80xi32, #tpu.memory_space<vmem>>
      %dma_wait3A_258 = arith.constant 0 : i32
      %dma_wait3A_259 = arith.constant 0 : i32
      %dma_wait3A_260 = tpu.memref_slice %arg2[%dma_wait3A_258, %dma_wait3A_259] : memref<10000x128xf32, #tpu.memory_space<hbm>> -> memref<10000x128xf32, #tpu.memory_space<hbm>>
      tpu.wait_indirect_dma semaphore(%arg13 : memref<!tpu.dma_semaphore, #tpu.memory_space<semaphore_mem>>) src(%dma_wait3A_260 : memref<10000x128xf32, #tpu.memory_space<hbm>>) dst(%arg9 : memref<80x128xf32, #tpu.memory_space<vmem>>)
      %mul3A_261 = arith.constant 80 : i32
      %mul3A_262 = arith.muli %add3A_254, %mul3A_261 : i32
      %dma_start3A_263 = tpu.memref_slice %arg7[%mul3A_262] : memref<10000xi32, #tpu.memory_space<vmem>> -> memref<80xi32, #tpu.memory_space<vmem>>
      %dma_start3A_264 = arith.constant 0 : i32
      %dma_start3A_265 = arith.constant 0 : i32
      %dma_start3A_266 = tpu.memref_slice %arg11[%dma_start3A_264, %dma_start3A_265] : memref<10000x128xf32, #tpu.memory_space<vmem_shared>> -> memref<10000x128xf32, #tpu.memory_space<vmem_shared>>
      tpu.enqueue_indirect_dma source(%arg9 : memref<80x128xf32, #tpu.memory_space<vmem>>) target(%dma_start3A_266 : memref<10000x128xf32, #tpu.memory_space<vmem_shared>>) offsets(%dma_start3A_263 : memref<80xi32, #tpu.memory_space<vmem>>) semaphore(%arg16 : memref<!tpu.dma_semaphore, #tpu.memory_space<semaphore_mem>>) {add = true}
      %add3A_267 = arith.constant 2 : i32
      %add3A_268 = arith.addi %add3A_254, %add3A_267 : i32
      %ge3A = arith.constant 3 : i32
      %ge3A_269 = arith.cmpi sge, %add3A_268, %ge3A : i32
      %convert_element_type3A_270 = arith.extui %ge3A_269 : i1 to i32
      %cond3A_271 = arith.constant 0 : i32
      %cond3A_272 = arith.cmpi ne, %convert_element_type3A_270, %cond3A_271 : i32
      scf.if %cond3A_272 {
        %sub3A = arith.constant 3 : i32
        %sub3A_333 = arith.subi %add3A_268, %sub3A : i32
        %mul3A_334 = arith.constant 80 : i32
        %mul3A_335 = arith.muli %sub3A_333, %mul3A_334 : i32
        %dma_wait3A_336 = tpu.memref_slice %arg7[%mul3A_335] : memref<10000xi32, #tpu.memory_space<vmem>> -> memref<80xi32, #tpu.memory_space<vmem>>
        %dma_wait3A_337 = arith.constant 0 : i32
        %dma_wait3A_338 = arith.constant 0 : i32
        %dma_wait3A_339 = tpu.memref_slice %arg11[%dma_wait3A_337, %dma_wait3A_338] : memref<10000x128xf32, #tpu.memory_space<vmem_shared>> -> memref<10000x128xf32, #tpu.memory_space<vmem_shared>>
        tpu.wait_indirect_dma semaphore(%arg15 : memref<!tpu.dma_semaphore, #tpu.memory_space<semaphore_mem>>) src(%arg8 : memref<80x128xf32, #tpu.memory_space<vmem>>) dst(%dma_wait3A_339 : memref<10000x128xf32, #tpu.memory_space<vmem_shared>>)
      } else {
      }
      %mul3A_273 = arith.constant 80 : i32
      %mul3A_274 = arith.muli %add3A_268, %mul3A_273 : i32
      %dma_start3A_275 = tpu.memref_slice %arg6[%mul3A_274] : memref<10000xi32, #tpu.memory_space<vmem>> -> memref<80xi32, #tpu.memory_space<vmem>>
      %dma_start3A_276 = arith.constant 0 : i32
      %dma_start3A_277 = arith.constant 0 : i32
      %dma_start3A_278 = tpu.memref_slice %arg2[%dma_start3A_276, %dma_start3A_277] : memref<10000x128xf32, #tpu.memory_space<hbm>> -> memref<10000x128xf32, #tpu.memory_space<hbm>>
      tpu.enqueue_indirect_dma source(%dma_start3A_278 : memref<10000x128xf32, #tpu.memory_space<hbm>>) target(%arg8 : memref<80x128xf32, #tpu.memory_space<vmem>>) offsets(%dma_start3A_275 : memref<80xi32, #tpu.memory_space<vmem>>) semaphore(%arg12 : memref<!tpu.dma_semaphore, #tpu.memory_space<semaphore_mem>>)
      %add3A_279 = arith.constant 1 : i32
      %add3A_280 = arith.addi %add3A_252, %add3A_279 : i32
      %mul3A_281 = arith.constant 80 : i32
      %mul3A_282 = arith.muli %add3A_280, %mul3A_281 : i32
      %dma_wait3A_283 = tpu.memref_slice %arg6[%mul3A_282] : memref<10000xi32, #tpu.memory_space<vmem>> -> memref<80xi32, #tpu.memory_space<vmem>>
      %dma_wait3A_284 = arith.constant 0 : i32
      %dma_wait3A_285 = arith.constant 0 : i32
      %dma_wait3A_286 = tpu.memref_slice %arg2[%dma_wait3A_284, %dma_wait3A_285] : memref<10000x128xf32, #tpu.memory_space<hbm>> -> memref<10000x128xf32, #tpu.memory_space<hbm>>
      tpu.wait_indirect_dma semaphore(%arg14 : memref<!tpu.dma_semaphore, #tpu.memory_space<semaphore_mem>>) src(%dma_wait3A_286 : memref<10000x128xf32, #tpu.memory_space<hbm>>) dst(%arg10 : memref<80x128xf32, #tpu.memory_space<vmem>>)
      %mul3A_287 = arith.constant 80 : i32
      %mul3A_288 = arith.muli %add3A_280, %mul3A_287 : i32
      %dma_start3A_289 = tpu.memref_slice %arg7[%mul3A_288] : memref<10000xi32, #tpu.memory_space<vmem>> -> memref<80xi32, #tpu.memory_space<vmem>>
      %dma_start3A_290 = arith.constant 0 : i32
      %dma_start3A_291 = arith.constant 0 : i32
      %dma_start3A_292 = tpu.memref_slice %arg11[%dma_start3A_290, %dma_start3A_291] : memref<10000x128xf32, #tpu.memory_space<vmem_shared>> -> memref<10000x128xf32, #tpu.memory_space<vmem_shared>>
      tpu.enqueue_indirect_dma source(%arg10 : memref<80x128xf32, #tpu.memory_space<vmem>>) target(%dma_start3A_292 : memref<10000x128xf32, #tpu.memory_space<vmem_shared>>) offsets(%dma_start3A_289 : memref<80xi32, #tpu.memory_space<vmem>>) semaphore(%arg17 : memref<!tpu.dma_semaphore, #tpu.memory_space<semaphore_mem>>) {add = true}
      %add3A_293 = arith.constant 2 : i32
      %add3A_294 = arith.addi %add3A_280, %add3A_293 : i32
      %ge3A_295 = arith.constant 3 : i32
      %ge3A_296 = arith.cmpi sge, %add3A_294, %ge3A_295 : i32
      %convert_element_type3A_297 = arith.extui %ge3A_296 : i1 to i32
      %cond3A_298 = arith.constant 0 : i32
      %cond3A_299 = arith.cmpi ne, %convert_element_type3A_297, %cond3A_298 : i32
      scf.if %cond3A_299 {
        %sub3A = arith.constant 3 : i32
        %sub3A_333 = arith.subi %add3A_294, %sub3A : i32
        %mul3A_334 = arith.constant 80 : i32
        %mul3A_335 = arith.muli %sub3A_333, %mul3A_334 : i32
        %dma_wait3A_336 = tpu.memref_slice %arg7[%mul3A_335] : memref<10000xi32, #tpu.memory_space<vmem>> -> memref<80xi32, #tpu.memory_space<vmem>>
        %dma_wait3A_337 = arith.constant 0 : i32
        %dma_wait3A_338 = arith.constant 0 : i32
        %dma_wait3A_339 = tpu.memref_slice %arg11[%dma_wait3A_337, %dma_wait3A_338] : memref<10000x128xf32, #tpu.memory_space<vmem_shared>> -> memref<10000x128xf32, #tpu.memory_space<vmem_shared>>
        tpu.wait_indirect_dma semaphore(%arg16 : memref<!tpu.dma_semaphore, #tpu.memory_space<semaphore_mem>>) src(%arg9 : memref<80x128xf32, #tpu.memory_space<vmem>>) dst(%dma_wait3A_339 : memref<10000x128xf32, #tpu.memory_space<vmem_shared>>)
      } else {
      }
      %mul3A_300 = arith.constant 80 : i32
      %mul3A_301 = arith.muli %add3A_294, %mul3A_300 : i32
      %dma_start3A_302 = tpu.memref_slice %arg6[%mul3A_301] : memref<10000xi32, #tpu.memory_space<vmem>> -> memref<80xi32, #tpu.memory_space<vmem>>
      %dma_start3A_303 = arith.constant 0 : i32
      %dma_start3A_304 = arith.constant 0 : i32
      %dma_start3A_305 = tpu.memref_slice %arg2[%dma_start3A_303, %dma_start3A_304] : memref<10000x128xf32, #tpu.memory_space<hbm>> -> memref<10000x128xf32, #tpu.memory_space<hbm>>
      tpu.enqueue_indirect_dma source(%dma_start3A_305 : memref<10000x128xf32, #tpu.memory_space<hbm>>) target(%arg9 : memref<80x128xf32, #tpu.memory_space<vmem>>) offsets(%dma_start3A_302 : memref<80xi32, #tpu.memory_space<vmem>>) semaphore(%arg13 : memref<!tpu.dma_semaphore, #tpu.memory_space<semaphore_mem>>)
      %add3A_306 = arith.constant 2 : i32
      %add3A_307 = arith.addi %add3A_252, %add3A_306 : i32
      %mul3A_308 = arith.constant 80 : i32
      %mul3A_309 = arith.muli %add3A_307, %mul3A_308 : i32
      %dma_wait3A_310 = tpu.memref_slice %arg6[%mul3A_309] : memref<10000xi32, #tpu.memory_space<vmem>> -> memref<80xi32, #tpu.memory_space<vmem>>
      %dma_wait3A_311 = arith.constant 0 : i32
      %dma_wait3A_312 = arith.constant 0 : i32
      %dma_wait3A_313 = tpu.memref_slice %arg2[%dma_wait3A_311, %dma_wait3A_312] : memref<10000x128xf32, #tpu.memory_space<hbm>> -> memref<10000x128xf32, #tpu.memory_space<hbm>>
      tpu.wait_indirect_dma semaphore(%arg12 : memref<!tpu.dma_semaphore, #tpu.memory_space<semaphore_mem>>) src(%dma_wait3A_313 : memref<10000x128xf32, #tpu.memory_space<hbm>>) dst(%arg8 : memref<80x128xf32, #tpu.memory_space<vmem>>)
      %mul3A_314 = arith.constant 80 : i32
      %mul3A_315 = arith.muli %add3A_307, %mul3A_314 : i32
      %dma_start3A_316 = tpu.memref_slice %arg7[%mul3A_315] : memref<10000xi32, #tpu.memory_space<vmem>> -> memref<80xi32, #tpu.memory_space<vmem>>
      %dma_start3A_317 = arith.constant 0 : i32
      %dma_start3A_318 = arith.constant 0 : i32
      %dma_start3A_319 = tpu.memref_slice %arg11[%dma_start3A_317, %dma_start3A_318] : memref<10000x128xf32, #tpu.memory_space<vmem_shared>> -> memref<10000x128xf32, #tpu.memory_space<vmem_shared>>
      tpu.enqueue_indirect_dma source(%arg8 : memref<80x128xf32, #tpu.memory_space<vmem>>) target(%dma_start3A_319 : memref<10000x128xf32, #tpu.memory_space<vmem_shared>>) offsets(%dma_start3A_316 : memref<80xi32, #tpu.memory_space<vmem>>) semaphore(%arg15 : memref<!tpu.dma_semaphore, #tpu.memory_space<semaphore_mem>>) {add = true}
      %add3A_320 = arith.constant 2 : i32
      %add3A_321 = arith.addi %add3A_307, %add3A_320 : i32
      %ge3A_322 = arith.constant 3 : i32
      %ge3A_323 = arith.cmpi sge, %add3A_321, %ge3A_322 : i32
      %convert_element_type3A_324 = arith.extui %ge3A_323 : i1 to i32
      %cond3A_325 = arith.constant 0 : i32
      %cond3A_326 = arith.cmpi ne, %convert_element_type3A_324, %cond3A_325 : i32
      scf.if %cond3A_326 {
        %sub3A = arith.constant 3 : i32
        %sub3A_333 = arith.subi %add3A_321, %sub3A : i32
        %mul3A_334 = arith.constant 80 : i32
        %mul3A_335 = arith.muli %sub3A_333, %mul3A_334 : i32
        %dma_wait3A_336 = tpu.memref_slice %arg7[%mul3A_335] : memref<10000xi32, #tpu.memory_space<vmem>> -> memref<80xi32, #tpu.memory_space<vmem>>
        %dma_wait3A_337 = arith.constant 0 : i32
        %dma_wait3A_338 = arith.constant 0 : i32
        %dma_wait3A_339 = tpu.memref_slice %arg11[%dma_wait3A_337, %dma_wait3A_338] : memref<10000x128xf32, #tpu.memory_space<vmem_shared>> -> memref<10000x128xf32, #tpu.memory_space<vmem_shared>>
        tpu.wait_indirect_dma semaphore(%arg17 : memref<!tpu.dma_semaphore, #tpu.memory_space<semaphore_mem>>) src(%arg10 : memref<80x128xf32, #tpu.memory_space<vmem>>) dst(%dma_wait3A_339 : memref<10000x128xf32, #tpu.memory_space<vmem_shared>>)
      } else {
      }
      %mul3A_327 = arith.constant 80 : i32
      %mul3A_328 = arith.muli %add3A_321, %mul3A_327 : i32
      %dma_start3A_329 = tpu.memref_slice %arg6[%mul3A_328] : memref<10000xi32, #tpu.memory_space<vmem>> -> memref<80xi32, #tpu.memory_space<vmem>>
      %dma_start3A_330 = arith.constant 0 : i32
      %dma_start3A_331 = arith.constant 0 : i32
      %dma_start3A_332 = tpu.memref_slice %arg2[%dma_start3A_330, %dma_start3A_331] : memref<10000x128xf32, #tpu.memory_space<hbm>> -> memref<10000x128xf32, #tpu.memory_space<hbm>>
      tpu.enqueue_indirect_dma source(%dma_start3A_332 : memref<10000x128xf32, #tpu.memory_space<hbm>>) target(%arg10 : memref<80x128xf32, #tpu.memory_space<vmem>>) offsets(%dma_start3A_329 : memref<80xi32, #tpu.memory_space<vmem>>) semaphore(%arg14 : memref<!tpu.dma_semaphore, #tpu.memory_space<semaphore_mem>>)
    }
    %scan3A_32 = arith.constant 41 : i32
    %dma_wait3A_33 = arith.constant 9840 : i32
    %dma_wait3A_34 = tpu.memref_slice %arg6[%dma_wait3A_33] : memref<10000xi32, #tpu.memory_space<vmem>> -> memref<80xi32, #tpu.memory_space<vmem>>
    %dma_wait3A_35 = arith.constant 0 : i32
    %dma_wait3A_36 = arith.constant 0 : i32
    %dma_wait3A_37 = tpu.memref_slice %arg2[%dma_wait3A_35, %dma_wait3A_36] : memref<10000x128xf32, #tpu.memory_space<hbm>> -> memref<10000x128xf32, #tpu.memory_space<hbm>>
    tpu.wait_indirect_dma semaphore(%arg13 : memref<!tpu.dma_semaphore, #tpu.memory_space<semaphore_mem>>) src(%dma_wait3A_37 : memref<10000x128xf32, #tpu.memory_space<hbm>>) dst(%arg9 : memref<80x128xf32, #tpu.memory_space<vmem>>)
    %dma_start3A_38 = arith.constant 9840 : i32
    %dma_start3A_39 = tpu.memref_slice %arg7[%dma_start3A_38] : memref<10000xi32, #tpu.memory_space<vmem>> -> memref<80xi32, #tpu.memory_space<vmem>>
    %dma_start3A_40 = arith.constant 0 : i32
    %dma_start3A_41 = arith.constant 0 : i32
    %dma_start3A_42 = tpu.memref_slice %arg11[%dma_start3A_40, %dma_start3A_41] : memref<10000x128xf32, #tpu.memory_space<vmem_shared>> -> memref<10000x128xf32, #tpu.memory_space<vmem_shared>>
    tpu.enqueue_indirect_dma source(%arg9 : memref<80x128xf32, #tpu.memory_space<vmem>>) target(%dma_start3A_42 : memref<10000x128xf32, #tpu.memory_space<vmem_shared>>) offsets(%dma_start3A_39 : memref<80xi32, #tpu.memory_space<vmem>>) semaphore(%arg16 : memref<!tpu.dma_semaphore, #tpu.memory_space<semaphore_mem>>) {add = true}
    %dma_wait3A_43 = arith.constant 9920 : i32
    %dma_wait3A_44 = tpu.memref_slice %arg6[%dma_wait3A_43] : memref<10000xi32, #tpu.memory_space<vmem>> -> memref<80xi32, #tpu.memory_space<vmem>>
    %dma_wait3A_45 = arith.constant 0 : i32
    %dma_wait3A_46 = arith.constant 0 : i32
    %dma_wait3A_47 = tpu.memref_slice %arg2[%dma_wait3A_45, %dma_wait3A_46] : memref<10000x128xf32, #tpu.memory_space<hbm>> -> memref<10000x128xf32, #tpu.memory_space<hbm>>
    tpu.wait_indirect_dma semaphore(%arg14 : memref<!tpu.dma_semaphore, #tpu.memory_space<semaphore_mem>>) src(%dma_wait3A_47 : memref<10000x128xf32, #tpu.memory_space<hbm>>) dst(%arg10 : memref<80x128xf32, #tpu.memory_space<vmem>>)
    %dma_start3A_48 = arith.constant 9920 : i32
    %dma_start3A_49 = tpu.memref_slice %arg7[%dma_start3A_48] : memref<10000xi32, #tpu.memory_space<vmem>> -> memref<80xi32, #tpu.memory_space<vmem>>
    %dma_start3A_50 = arith.constant 0 : i32
    %dma_start3A_51 = arith.constant 0 : i32
    %dma_start3A_52 = tpu.memref_slice %arg11[%dma_start3A_50, %dma_start3A_51] : memref<10000x128xf32, #tpu.memory_space<vmem_shared>> -> memref<10000x128xf32, #tpu.memory_space<vmem_shared>>
    tpu.enqueue_indirect_dma source(%arg10 : memref<80x128xf32, #tpu.memory_space<vmem>>) target(%dma_start3A_52 : memref<10000x128xf32, #tpu.memory_space<vmem_shared>>) offsets(%dma_start3A_49 : memref<80xi32, #tpu.memory_space<vmem>>) semaphore(%arg17 : memref<!tpu.dma_semaphore, #tpu.memory_space<semaphore_mem>>) {add = true}
    %dma_wait3A_53 = arith.constant 9760 : i32
    %dma_wait3A_54 = tpu.memref_slice %arg7[%dma_wait3A_53] : memref<10000xi32, #tpu.memory_space<vmem>> -> memref<80xi32, #tpu.memory_space<vmem>>
    %dma_wait3A_55 = arith.constant 0 : i32
    %dma_wait3A_56 = arith.constant 0 : i32
    %dma_wait3A_57 = tpu.memref_slice %arg11[%dma_wait3A_55, %dma_wait3A_56] : memref<10000x128xf32, #tpu.memory_space<vmem_shared>> -> memref<10000x128xf32, #tpu.memory_space<vmem_shared>>
    tpu.wait_indirect_dma semaphore(%arg15 : memref<!tpu.dma_semaphore, #tpu.memory_space<semaphore_mem>>) src(%arg8 : memref<80x128xf32, #tpu.memory_space<vmem>>) dst(%dma_wait3A_57 : memref<10000x128xf32, #tpu.memory_space<vmem_shared>>)
    %dma_wait3A_58 = arith.constant 9840 : i32
    %dma_wait3A_59 = tpu.memref_slice %arg7[%dma_wait3A_58] : memref<10000xi32, #tpu.memory_space<vmem>> -> memref<80xi32, #tpu.memory_space<vmem>>
    %dma_wait3A_60 = arith.constant 0 : i32
    %dma_wait3A_61 = arith.constant 0 : i32
    %dma_wait3A_62 = tpu.memref_slice %arg11[%dma_wait3A_60, %dma_wait3A_61] : memref<10000x128xf32, #tpu.memory_space<vmem_shared>> -> memref<10000x128xf32, #tpu.memory_space<vmem_shared>>
    tpu.wait_indirect_dma semaphore(%arg16 : memref<!tpu.dma_semaphore, #tpu.memory_space<semaphore_mem>>) src(%arg9 : memref<80x128xf32, #tpu.memory_space<vmem>>) dst(%dma_wait3A_62 : memref<10000x128xf32, #tpu.memory_space<vmem_shared>>)
    %dma_wait3A_63 = arith.constant 9920 : i32
    %dma_wait3A_64 = tpu.memref_slice %arg7[%dma_wait3A_63] : memref<10000xi32, #tpu.memory_space<vmem>> -> memref<80xi32, #tpu.memory_space<vmem>>
    %dma_wait3A_65 = arith.constant 0 : i32
    %dma_wait3A_66 = arith.constant 0 : i32
    %dma_wait3A_67 = tpu.memref_slice %arg11[%dma_wait3A_65, %dma_wait3A_66] : memref<10000x128xf32, #tpu.memory_space<vmem_shared>> -> memref<10000x128xf32, #tpu.memory_space<vmem_shared>>
    tpu.wait_indirect_dma semaphore(%arg17 : memref<!tpu.dma_semaphore, #tpu.memory_space<semaphore_mem>>) src(%arg10 : memref<80x128xf32, #tpu.memory_space<vmem>>) dst(%dma_wait3A_67 : memref<10000x128xf32, #tpu.memory_space<vmem_shared>>)
    %barrier3A_68 = arith.constant 0 : index
    tpu.barrier barrier_id(%barrier3A_68)
    %add3A_69 = arith.constant 0 : i32
    %add3A_70 = arith.addi %add3A_69, %arg1 : i32
    %mul3A_71 = arith.constant 80 : i32
    %mul3A_72 = arith.muli %add3A_70, %mul3A_71 : i32
    %dma_start3A_73 = arith.constant 0 : i32
    %dma_start3A_74 = arith.constant 0 : i32
    %dma_start3A_75 = tpu.memref_slice %arg5[%arg0, %dma_start3A_73, %dma_start3A_74] : memref<2x10000x128xf32, #tpu.memory_space<hbm>> -> memref<1x10000x128xf32, #tpu.memory_space<hbm>>
    %dma_start3A_76 = tpu.memref_squeeze %dma_start3A_75 : memref<1x10000x128xf32, #tpu.memory_space<hbm>> -> memref<10000x128xf32, #tpu.memory_space<hbm>>
    %dma_start3A_77 = arith.constant 0 : i32
    %dma_start3A_78 = tpu.memref_slice %dma_start3A_76[%mul3A_72, %dma_start3A_77] : memref<10000x128xf32, #tpu.memory_space<hbm>> -> memref<80x128xf32, #tpu.memory_space<hbm>>
    %dma_start3A_79 = arith.constant 0 : i32
    %dma_start3A_80 = tpu.memref_slice %arg11[%mul3A_72, %dma_start3A_79] : memref<10000x128xf32, #tpu.memory_space<vmem_shared>> -> memref<80x128xf32, #tpu.memory_space<vmem_shared>>
    tpu.enqueue_dma source(%dma_start3A_80 : memref<80x128xf32, #tpu.memory_space<vmem_shared>>) target(%dma_start3A_78 : memref<80x128xf32, #tpu.memory_space<hbm>>) target_semaphore(%arg12 : memref<!tpu.dma_semaphore, #tpu.memory_space<semaphore_mem>>)
    %add3A_81 = arith.constant 16 : i32
    %add3A_82 = arith.addi %add3A_81, %arg1 : i32
    %mul3A_83 = arith.constant 80 : i32
    %mul3A_84 = arith.muli %add3A_82, %mul3A_83 : i32
    %dma_start3A_85 = arith.constant 0 : i32
    %dma_start3A_86 = arith.constant 0 : i32
    %dma_start3A_87 = tpu.memref_slice %arg5[%arg0, %dma_start3A_85, %dma_start3A_86] : memref<2x10000x128xf32, #tpu.memory_space<hbm>> -> memref<1x10000x128xf32, #tpu.memory_space<hbm>>
    %dma_start3A_88 = tpu.memref_squeeze %dma_start3A_87 : memref<1x10000x128xf32, #tpu.memory_space<hbm>> -> memref<10000x128xf32, #tpu.memory_space<hbm>>
    %dma_start3A_89 = arith.constant 0 : i32
    %dma_start3A_90 = tpu.memref_slice %dma_start3A_88[%mul3A_84, %dma_start3A_89] : memref<10000x128xf32, #tpu.memory_space<hbm>> -> memref<80x128xf32, #tpu.memory_space<hbm>>
    %dma_start3A_91 = arith.constant 0 : i32
    %dma_start3A_92 = tpu.memref_slice %arg11[%mul3A_84, %dma_start3A_91] : memref<10000x128xf32, #tpu.memory_space<vmem_shared>> -> memref<80x128xf32, #tpu.memory_space<vmem_shared>>
    tpu.enqueue_dma source(%dma_start3A_92 : memref<80x128xf32, #tpu.memory_space<vmem_shared>>) target(%dma_start3A_90 : memref<80x128xf32, #tpu.memory_space<hbm>>) target_semaphore(%arg13 : memref<!tpu.dma_semaphore, #tpu.memory_space<semaphore_mem>>)
    %add3A_93 = arith.constant 32 : i32
    %add3A_94 = arith.addi %add3A_93, %arg1 : i32
    %mul3A_95 = arith.constant 80 : i32
    %mul3A_96 = arith.muli %add3A_94, %mul3A_95 : i32
    %dma_start3A_97 = arith.constant 0 : i32
    %dma_start3A_98 = arith.constant 0 : i32
    %dma_start3A_99 = tpu.memref_slice %arg5[%arg0, %dma_start3A_97, %dma_start3A_98] : memref<2x10000x128xf32, #tpu.memory_space<hbm>> -> memref<1x10000x128xf32, #tpu.memory_space<hbm>>
    %dma_start3A_100 = tpu.memref_squeeze %dma_start3A_99 : memref<1x10000x128xf32, #tpu.memory_space<hbm>> -> memref<10000x128xf32, #tpu.memory_space<hbm>>
    %dma_start3A_101 = arith.constant 0 : i32
    %dma_start3A_102 = tpu.memref_slice %dma_start3A_100[%mul3A_96, %dma_start3A_101] : memref<10000x128xf32, #tpu.memory_space<hbm>> -> memref<80x128xf32, #tpu.memory_space<hbm>>
    %dma_start3A_103 = arith.constant 0 : i32
    %dma_start3A_104 = tpu.memref_slice %arg11[%mul3A_96, %dma_start3A_103] : memref<10000x128xf32, #tpu.memory_space<vmem_shared>> -> memref<80x128xf32, #tpu.memory_space<vmem_shared>>
    tpu.enqueue_dma source(%dma_start3A_104 : memref<80x128xf32, #tpu.memory_space<vmem_shared>>) target(%dma_start3A_102 : memref<80x128xf32, #tpu.memory_space<hbm>>) target_semaphore(%arg14 : memref<!tpu.dma_semaphore, #tpu.memory_space<semaphore_mem>>)
    %add3A_105 = arith.constant 48 : i32
    %add3A_106 = arith.addi %add3A_105, %arg1 : i32
    %add3A_107 = arith.constant 0 : i32
    %add3A_108 = arith.addi %add3A_107, %arg1 : i32
    %mul3A_109 = arith.constant 80 : i32
    %mul3A_110 = arith.muli %add3A_108, %mul3A_109 : i32
    %dma_wait3A_111 = arith.constant 0 : i32
    %dma_wait3A_112 = arith.constant 0 : i32
    %dma_wait3A_113 = tpu.memref_slice %arg5[%arg0, %dma_wait3A_111, %dma_wait3A_112] : memref<2x10000x128xf32, #tpu.memory_space<hbm>> -> memref<1x10000x128xf32, #tpu.memory_space<hbm>>
    %dma_wait3A_114 = tpu.memref_squeeze %dma_wait3A_113 : memref<1x10000x128xf32, #tpu.memory_space<hbm>> -> memref<10000x128xf32, #tpu.memory_space<hbm>>
    %dma_wait3A_115 = arith.constant 0 : i32
    %dma_wait3A_116 = tpu.memref_slice %dma_wait3A_114[%mul3A_110, %dma_wait3A_115] : memref<10000x128xf32, #tpu.memory_space<hbm>> -> memref<80x128xf32, #tpu.memory_space<hbm>>
    %dma_wait3A_117 = arith.constant 0 : i32
    %dma_wait3A_118 = tpu.memref_slice %arg11[%mul3A_110, %dma_wait3A_117] : memref<10000x128xf32, #tpu.memory_space<vmem_shared>> -> memref<80x128xf32, #tpu.memory_space<vmem_shared>>
    tpu.wait_dma2 semaphore(%arg12 : memref<!tpu.dma_semaphore, #tpu.memory_space<semaphore_mem>>) src(%dma_wait3A_118 : memref<80x128xf32, #tpu.memory_space<vmem_shared>>) dst(%dma_wait3A_116 : memref<80x128xf32, #tpu.memory_space<hbm>>)
    %mul3A_119 = arith.constant 80 : i32
    %mul3A_120 = arith.muli %add3A_106, %mul3A_119 : i32
    %dma_start3A_121 = arith.constant 0 : i32
    %dma_start3A_122 = arith.constant 0 : i32
    %dma_start3A_123 = tpu.memref_slice %arg5[%arg0, %dma_start3A_121, %dma_start3A_122] : memref<2x10000x128xf32, #tpu.memory_space<hbm>> -> memref<1x10000x128xf32, #tpu.memory_space<hbm>>
    %dma_start3A_124 = tpu.memref_squeeze %dma_start3A_123 : memref<1x10000x128xf32, #tpu.memory_space<hbm>> -> memref<10000x128xf32, #tpu.memory_space<hbm>>
    %dma_start3A_125 = arith.constant 0 : i32
    %dma_start3A_126 = tpu.memref_slice %dma_start3A_124[%mul3A_120, %dma_start3A_125] : memref<10000x128xf32, #tpu.memory_space<hbm>> -> memref<80x128xf32, #tpu.memory_space<hbm>>
    %dma_start3A_127 = arith.constant 0 : i32
    %dma_start3A_128 = tpu.memref_slice %arg11[%mul3A_120, %dma_start3A_127] : memref<10000x128xf32, #tpu.memory_space<vmem_shared>> -> memref<80x128xf32, #tpu.memory_space<vmem_shared>>
    tpu.enqueue_dma source(%dma_start3A_128 : memref<80x128xf32, #tpu.memory_space<vmem_shared>>) target(%dma_start3A_126 : memref<80x128xf32, #tpu.memory_space<hbm>>) target_semaphore(%arg12 : memref<!tpu.dma_semaphore, #tpu.memory_space<semaphore_mem>>)
    %add3A_129 = arith.constant 64 : i32
    %add3A_130 = arith.addi %add3A_129, %arg1 : i32
    %add3A_131 = arith.constant 16 : i32
    %add3A_132 = arith.addi %add3A_131, %arg1 : i32
    %mul3A_133 = arith.constant 80 : i32
    %mul3A_134 = arith.muli %add3A_132, %mul3A_133 : i32
    %dma_wait3A_135 = arith.constant 0 : i32
    %dma_wait3A_136 = arith.constant 0 : i32
    %dma_wait3A_137 = tpu.memref_slice %arg5[%arg0, %dma_wait3A_135, %dma_wait3A_136] : memref<2x10000x128xf32, #tpu.memory_space<hbm>> -> memref<1x10000x128xf32, #tpu.memory_space<hbm>>
    %dma_wait3A_138 = tpu.memref_squeeze %dma_wait3A_137 : memref<1x10000x128xf32, #tpu.memory_space<hbm>> -> memref<10000x128xf32, #tpu.memory_space<hbm>>
    %dma_wait3A_139 = arith.constant 0 : i32
    %dma_wait3A_140 = tpu.memref_slice %dma_wait3A_138[%mul3A_134, %dma_wait3A_139] : memref<10000x128xf32, #tpu.memory_space<hbm>> -> memref<80x128xf32, #tpu.memory_space<hbm>>
    %dma_wait3A_141 = arith.constant 0 : i32
    %dma_wait3A_142 = tpu.memref_slice %arg11[%mul3A_134, %dma_wait3A_141] : memref<10000x128xf32, #tpu.memory_space<vmem_shared>> -> memref<80x128xf32, #tpu.memory_space<vmem_shared>>
    tpu.wait_dma2 semaphore(%arg13 : memref<!tpu.dma_semaphore, #tpu.memory_space<semaphore_mem>>) src(%dma_wait3A_142 : memref<80x128xf32, #tpu.memory_space<vmem_shared>>) dst(%dma_wait3A_140 : memref<80x128xf32, #tpu.memory_space<hbm>>)
    %mul3A_143 = arith.constant 80 : i32
    %mul3A_144 = arith.muli %add3A_130, %mul3A_143 : i32
    %dma_start3A_145 = arith.constant 0 : i32
    %dma_start3A_146 = arith.constant 0 : i32
    %dma_start3A_147 = tpu.memref_slice %arg5[%arg0, %dma_start3A_145, %dma_start3A_146] : memref<2x10000x128xf32, #tpu.memory_space<hbm>> -> memref<1x10000x128xf32, #tpu.memory_space<hbm>>
    %dma_start3A_148 = tpu.memref_squeeze %dma_start3A_147 : memref<1x10000x128xf32, #tpu.memory_space<hbm>> -> memref<10000x128xf32, #tpu.memory_space<hbm>>
    %dma_start3A_149 = arith.constant 0 : i32
    %dma_start3A_150 = tpu.memref_slice %dma_start3A_148[%mul3A_144, %dma_start3A_149] : memref<10000x128xf32, #tpu.memory_space<hbm>> -> memref<80x128xf32, #tpu.memory_space<hbm>>
    %dma_start3A_151 = arith.constant 0 : i32
    %dma_start3A_152 = tpu.memref_slice %arg11[%mul3A_144, %dma_start3A_151] : memref<10000x128xf32, #tpu.memory_space<vmem_shared>> -> memref<80x128xf32, #tpu.memory_space<vmem_shared>>
    tpu.enqueue_dma source(%dma_start3A_152 : memref<80x128xf32, #tpu.memory_space<vmem_shared>>) target(%dma_start3A_150 : memref<80x128xf32, #tpu.memory_space<hbm>>) target_semaphore(%arg13 : memref<!tpu.dma_semaphore, #tpu.memory_space<semaphore_mem>>)
    %add3A_153 = arith.constant 80 : i32
    %add3A_154 = arith.addi %add3A_153, %arg1 : i32
    %add3A_155 = arith.constant 32 : i32
    %add3A_156 = arith.addi %add3A_155, %arg1 : i32
    %mul3A_157 = arith.constant 80 : i32
    %mul3A_158 = arith.muli %add3A_156, %mul3A_157 : i32
    %dma_wait3A_159 = arith.constant 0 : i32
    %dma_wait3A_160 = arith.constant 0 : i32
    %dma_wait3A_161 = tpu.memref_slice %arg5[%arg0, %dma_wait3A_159, %dma_wait3A_160] : memref<2x10000x128xf32, #tpu.memory_space<hbm>> -> memref<1x10000x128xf32, #tpu.memory_space<hbm>>
    %dma_wait3A_162 = tpu.memref_squeeze %dma_wait3A_161 : memref<1x10000x128xf32, #tpu.memory_space<hbm>> -> memref<10000x128xf32, #tpu.memory_space<hbm>>
    %dma_wait3A_163 = arith.constant 0 : i32
    %dma_wait3A_164 = tpu.memref_slice %dma_wait3A_162[%mul3A_158, %dma_wait3A_163] : memref<10000x128xf32, #tpu.memory_space<hbm>> -> memref<80x128xf32, #tpu.memory_space<hbm>>
    %dma_wait3A_165 = arith.constant 0 : i32
    %dma_wait3A_166 = tpu.memref_slice %arg11[%mul3A_158, %dma_wait3A_165] : memref<10000x128xf32, #tpu.memory_space<vmem_shared>> -> memref<80x128xf32, #tpu.memory_space<vmem_shared>>
    tpu.wait_dma2 semaphore(%arg14 : memref<!tpu.dma_semaphore, #tpu.memory_space<semaphore_mem>>) src(%dma_wait3A_166 : memref<80x128xf32, #tpu.memory_space<vmem_shared>>) dst(%dma_wait3A_164 : memref<80x128xf32, #tpu.memory_space<hbm>>)
    %mul3A_167 = arith.constant 80 : i32
    %mul3A_168 = arith.muli %add3A_154, %mul3A_167 : i32
    %dma_start3A_169 = arith.constant 0 : i32
    %dma_start3A_170 = arith.constant 0 : i32
    %dma_start3A_171 = tpu.memref_slice %arg5[%arg0, %dma_start3A_169, %dma_start3A_170] : memref<2x10000x128xf32, #tpu.memory_space<hbm>> -> memref<1x10000x128xf32, #tpu.memory_space<hbm>>
    %dma_start3A_172 = tpu.memref_squeeze %dma_start3A_171 : memref<1x10000x128xf32, #tpu.memory_space<hbm>> -> memref<10000x128xf32, #tpu.memory_space<hbm>>
    %dma_start3A_173 = arith.constant 0 : i32
    %dma_start3A_174 = tpu.memref_slice %dma_start3A_172[%mul3A_168, %dma_start3A_173] : memref<10000x128xf32, #tpu.memory_space<hbm>> -> memref<80x128xf32, #tpu.memory_space<hbm>>
    %dma_start3A_175 = arith.constant 0 : i32
    %dma_start3A_176 = tpu.memref_slice %arg11[%mul3A_168, %dma_start3A_175] : memref<10000x128xf32, #tpu.memory_space<vmem_shared>> -> memref<80x128xf32, #tpu.memory_space<vmem_shared>>
    tpu.enqueue_dma source(%dma_start3A_176 : memref<80x128xf32, #tpu.memory_space<vmem_shared>>) target(%dma_start3A_174 : memref<80x128xf32, #tpu.memory_space<hbm>>) target_semaphore(%arg14 : memref<!tpu.dma_semaphore, #tpu.memory_space<semaphore_mem>>)
    %add3A_177 = arith.constant 96 : i32
    %add3A_178 = arith.addi %add3A_177, %arg1 : i32
    %add3A_179 = arith.constant 48 : i32
    %add3A_180 = arith.addi %add3A_179, %arg1 : i32
    %mul3A_181 = arith.constant 80 : i32
    %mul3A_182 = arith.muli %add3A_180, %mul3A_181 : i32
    %dma_wait3A_183 = arith.constant 0 : i32
    %dma_wait3A_184 = arith.constant 0 : i32
    %dma_wait3A_185 = tpu.memref_slice %arg5[%arg0, %dma_wait3A_183, %dma_wait3A_184] : memref<2x10000x128xf32, #tpu.memory_space<hbm>> -> memref<1x10000x128xf32, #tpu.memory_space<hbm>>
    %dma_wait3A_186 = tpu.memref_squeeze %dma_wait3A_185 : memref<1x10000x128xf32, #tpu.memory_space<hbm>> -> memref<10000x128xf32, #tpu.memory_space<hbm>>
    %dma_wait3A_187 = arith.constant 0 : i32
    %dma_wait3A_188 = tpu.memref_slice %dma_wait3A_186[%mul3A_182, %dma_wait3A_187] : memref<10000x128xf32, #tpu.memory_space<hbm>> -> memref<80x128xf32, #tpu.memory_space<hbm>>
    %dma_wait3A_189 = arith.constant 0 : i32
    %dma_wait3A_190 = tpu.memref_slice %arg11[%mul3A_182, %dma_wait3A_189] : memref<10000x128xf32, #tpu.memory_space<vmem_shared>> -> memref<80x128xf32, #tpu.memory_space<vmem_shared>>
    tpu.wait_dma2 semaphore(%arg12 : memref<!tpu.dma_semaphore, #tpu.memory_space<semaphore_mem>>) src(%dma_wait3A_190 : memref<80x128xf32, #tpu.memory_space<vmem_shared>>) dst(%dma_wait3A_188 : memref<80x128xf32, #tpu.memory_space<hbm>>)
    %mul3A_191 = arith.constant 80 : i32
    %mul3A_192 = arith.muli %add3A_178, %mul3A_191 : i32
    %dma_start3A_193 = arith.constant 0 : i32
    %dma_start3A_194 = arith.constant 0 : i32
    %dma_start3A_195 = tpu.memref_slice %arg5[%arg0, %dma_start3A_193, %dma_start3A_194] : memref<2x10000x128xf32, #tpu.memory_space<hbm>> -> memref<1x10000x128xf32, #tpu.memory_space<hbm>>
    %dma_start3A_196 = tpu.memref_squeeze %dma_start3A_195 : memref<1x10000x128xf32, #tpu.memory_space<hbm>> -> memref<10000x128xf32, #tpu.memory_space<hbm>>
    %dma_start3A_197 = arith.constant 0 : i32
    %dma_start3A_198 = tpu.memref_slice %dma_start3A_196[%mul3A_192, %dma_start3A_197] : memref<10000x128xf32, #tpu.memory_space<hbm>> -> memref<80x128xf32, #tpu.memory_space<hbm>>
    %dma_start3A_199 = arith.constant 0 : i32
    %dma_start3A_200 = tpu.memref_slice %arg11[%mul3A_192, %dma_start3A_199] : memref<10000x128xf32, #tpu.memory_space<vmem_shared>> -> memref<80x128xf32, #tpu.memory_space<vmem_shared>>
    tpu.enqueue_dma source(%dma_start3A_200 : memref<80x128xf32, #tpu.memory_space<vmem_shared>>) target(%dma_start3A_198 : memref<80x128xf32, #tpu.memory_space<hbm>>) target_semaphore(%arg12 : memref<!tpu.dma_semaphore, #tpu.memory_space<semaphore_mem>>)
    %add3A_201 = arith.constant 112 : i32
    %add3A_202 = arith.addi %add3A_201, %arg1 : i32
    %add3A_203 = arith.constant 64 : i32
    %add3A_204 = arith.addi %add3A_203, %arg1 : i32
    %mul3A_205 = arith.constant 80 : i32
    %mul3A_206 = arith.muli %add3A_204, %mul3A_205 : i32
    %dma_wait3A_207 = arith.constant 0 : i32
    %dma_wait3A_208 = arith.constant 0 : i32
    %dma_wait3A_209 = tpu.memref_slice %arg5[%arg0, %dma_wait3A_207, %dma_wait3A_208] : memref<2x10000x128xf32, #tpu.memory_space<hbm>> -> memref<1x10000x128xf32, #tpu.memory_space<hbm>>
    %dma_wait3A_210 = tpu.memref_squeeze %dma_wait3A_209 : memref<1x10000x128xf32, #tpu.memory_space<hbm>> -> memref<10000x128xf32, #tpu.memory_space<hbm>>
    %dma_wait3A_211 = arith.constant 0 : i32
    %dma_wait3A_212 = tpu.memref_slice %dma_wait3A_210[%mul3A_206, %dma_wait3A_211] : memref<10000x128xf32, #tpu.memory_space<hbm>> -> memref<80x128xf32, #tpu.memory_space<hbm>>
    %dma_wait3A_213 = arith.constant 0 : i32
    %dma_wait3A_214 = tpu.memref_slice %arg11[%mul3A_206, %dma_wait3A_213] : memref<10000x128xf32, #tpu.memory_space<vmem_shared>> -> memref<80x128xf32, #tpu.memory_space<vmem_shared>>
    tpu.wait_dma2 semaphore(%arg13 : memref<!tpu.dma_semaphore, #tpu.memory_space<semaphore_mem>>) src(%dma_wait3A_214 : memref<80x128xf32, #tpu.memory_space<vmem_shared>>) dst(%dma_wait3A_212 : memref<80x128xf32, #tpu.memory_space<hbm>>)
    %lt3A = arith.constant 125 : i32
    %lt3A_215 = arith.cmpi slt, %add3A_202, %lt3A : i32
    %convert_element_type3A = arith.extui %lt3A_215 : i1 to i32
    %cond3A = arith.constant 0 : i32
    %cond3A_216 = arith.cmpi ne, %convert_element_type3A, %cond3A : i32
    scf.if %cond3A_216 {
      %mul3A_248 = arith.constant 80 : i32
      %mul3A_249 = arith.muli %add3A_202, %mul3A_248 : i32
      %dma_start3A_250 = arith.constant 0 : i32
      %dma_start3A_251 = arith.constant 0 : i32
      %dma_start3A_252 = tpu.memref_slice %arg5[%arg0, %dma_start3A_250, %dma_start3A_251] : memref<2x10000x128xf32, #tpu.memory_space<hbm>> -> memref<1x10000x128xf32, #tpu.memory_space<hbm>>
      %dma_start3A_253 = tpu.memref_squeeze %dma_start3A_252 : memref<1x10000x128xf32, #tpu.memory_space<hbm>> -> memref<10000x128xf32, #tpu.memory_space<hbm>>
      %dma_start3A_254 = arith.constant 0 : i32
      %dma_start3A_255 = tpu.memref_slice %dma_start3A_253[%mul3A_249, %dma_start3A_254] : memref<10000x128xf32, #tpu.memory_space<hbm>> -> memref<80x128xf32, #tpu.memory_space<hbm>>
      %dma_start3A_256 = arith.constant 0 : i32
      %dma_start3A_257 = tpu.memref_slice %arg11[%mul3A_249, %dma_start3A_256] : memref<10000x128xf32, #tpu.memory_space<vmem_shared>> -> memref<80x128xf32, #tpu.memory_space<vmem_shared>>
      tpu.enqueue_dma source(%dma_start3A_257 : memref<80x128xf32, #tpu.memory_space<vmem_shared>>) target(%dma_start3A_255 : memref<80x128xf32, #tpu.memory_space<hbm>>) target_semaphore(%arg13 : memref<!tpu.dma_semaphore, #tpu.memory_space<semaphore_mem>>)
    } else {
    }
    %add3A_217 = arith.constant 80 : i32
    %add3A_218 = arith.addi %add3A_217, %arg1 : i32
    %mul3A_219 = arith.constant 80 : i32
    %mul3A_220 = arith.muli %add3A_218, %mul3A_219 : i32
    %dma_wait3A_221 = arith.constant 0 : i32
    %dma_wait3A_222 = arith.constant 0 : i32
    %dma_wait3A_223 = tpu.memref_slice %arg5[%arg0, %dma_wait3A_221, %dma_wait3A_222] : memref<2x10000x128xf32, #tpu.memory_space<hbm>> -> memref<1x10000x128xf32, #tpu.memory_space<hbm>>
    %dma_wait3A_224 = tpu.memref_squeeze %dma_wait3A_223 : memref<1x10000x128xf32, #tpu.memory_space<hbm>> -> memref<10000x128xf32, #tpu.memory_space<hbm>>
    %dma_wait3A_225 = arith.constant 0 : i32
    %dma_wait3A_226 = tpu.memref_slice %dma_wait3A_224[%mul3A_220, %dma_wait3A_225] : memref<10000x128xf32, #tpu.memory_space<hbm>> -> memref<80x128xf32, #tpu.memory_space<hbm>>
    %dma_wait3A_227 = arith.constant 0 : i32
    %dma_wait3A_228 = tpu.memref_slice %arg11[%mul3A_220, %dma_wait3A_227] : memref<10000x128xf32, #tpu.memory_space<vmem_shared>> -> memref<80x128xf32, #tpu.memory_space<vmem_shared>>
    tpu.wait_dma2 semaphore(%arg14 : memref<!tpu.dma_semaphore, #tpu.memory_space<semaphore_mem>>) src(%dma_wait3A_228 : memref<80x128xf32, #tpu.memory_space<vmem_shared>>) dst(%dma_wait3A_226 : memref<80x128xf32, #tpu.memory_space<hbm>>)
    %add3A_229 = arith.constant 96 : i32
    %add3A_230 = arith.addi %add3A_229, %arg1 : i32
    %mul3A_231 = arith.constant 80 : i32
    %mul3A_232 = arith.muli %add3A_230, %mul3A_231 : i32
    %dma_wait3A_233 = arith.constant 0 : i32
    %dma_wait3A_234 = arith.constant 0 : i32
    %dma_wait3A_235 = tpu.memref_slice %arg5[%arg0, %dma_wait3A_233, %dma_wait3A_234] : memref<2x10000x128xf32, #tpu.memory_space<hbm>> -> memref<1x10000x128xf32, #tpu.memory_space<hbm>>
    %dma_wait3A_236 = tpu.memref_squeeze %dma_wait3A_235 : memref<1x10000x128xf32, #tpu.memory_space<hbm>> -> memref<10000x128xf32, #tpu.memory_space<hbm>>
    %dma_wait3A_237 = arith.constant 0 : i32
    %dma_wait3A_238 = tpu.memref_slice %dma_wait3A_236[%mul3A_232, %dma_wait3A_237] : memref<10000x128xf32, #tpu.memory_space<hbm>> -> memref<80x128xf32, #tpu.memory_space<hbm>>
    %dma_wait3A_239 = arith.constant 0 : i32
    %dma_wait3A_240 = tpu.memref_slice %arg11[%mul3A_232, %dma_wait3A_239] : memref<10000x128xf32, #tpu.memory_space<vmem_shared>> -> memref<80x128xf32, #tpu.memory_space<vmem_shared>>
    tpu.wait_dma2 semaphore(%arg12 : memref<!tpu.dma_semaphore, #tpu.memory_space<semaphore_mem>>) src(%dma_wait3A_240 : memref<80x128xf32, #tpu.memory_space<vmem_shared>>) dst(%dma_wait3A_238 : memref<80x128xf32, #tpu.memory_space<hbm>>)
    %add3A_241 = arith.constant 112 : i32
    %add3A_242 = arith.addi %add3A_241, %arg1 : i32
    %lt3A_243 = arith.constant 125 : i32
    %lt3A_244 = arith.cmpi slt, %add3A_242, %lt3A_243 : i32
    %convert_element_type3A_245 = arith.extui %lt3A_244 : i1 to i32
    %cond3A_246 = arith.constant 0 : i32
    %cond3A_247 = arith.cmpi ne, %convert_element_type3A_245, %cond3A_246 : i32
    scf.if %cond3A_247 {
      %mul3A_248 = arith.constant 80 : i32
      %mul3A_249 = arith.muli %add3A_242, %mul3A_248 : i32
      %dma_wait3A_250 = arith.constant 0 : i32
      %dma_wait3A_251 = arith.constant 0 : i32
      %dma_wait3A_252 = tpu.memref_slice %arg5[%arg0, %dma_wait3A_250, %dma_wait3A_251] : memref<2x10000x128xf32, #tpu.memory_space<hbm>> -> memref<1x10000x128xf32, #tpu.memory_space<hbm>>
      %dma_wait3A_253 = tpu.memref_squeeze %dma_wait3A_252 : memref<1x10000x128xf32, #tpu.memory_space<hbm>> -> memref<10000x128xf32, #tpu.memory_space<hbm>>
      %dma_wait3A_254 = arith.constant 0 : i32
      %dma_wait3A_255 = tpu.memref_slice %dma_wait3A_253[%mul3A_249, %dma_wait3A_254] : memref<10000x128xf32, #tpu.memory_space<hbm>> -> memref<80x128xf32, #tpu.memory_space<hbm>>
      %dma_wait3A_256 = arith.constant 0 : i32
      %dma_wait3A_257 = tpu.memref_slice %arg11[%mul3A_249, %dma_wait3A_256] : memref<10000x128xf32, #tpu.memory_space<vmem_shared>> -> memref<80x128xf32, #tpu.memory_space<vmem_shared>>
      tpu.wait_dma2 semaphore(%arg13 : memref<!tpu.dma_semaphore, #tpu.memory_space<semaphore_mem>>) src(%dma_wait3A_257 : memref<80x128xf32, #tpu.memory_space<vmem_shared>>) dst(%dma_wait3A_255 : memref<80x128xf32, #tpu.memory_space<hbm>>)
    } else {
    }
    return
  }
}

module attributes {stable_mosaic.version = 14 : i64} {
  func.func @_transpose_body(%arg0: memref<128x10000xf32, #tpu.memory_space<vmem>>, %arg1: memref<10000x128xf32, #tpu.memory_space<vmem>>) attributes {dimension_semantics = [], scalar_prefetch = 0 : i64, scratch_operands = 0 : i64, tpu.core_type = #tpu.core_type<tc>} {
    %get3A = arith.constant 0 : index
    %get3A_0 = arith.constant 0 : index
    %get3A_1 = vector.load %arg0[%get3A, %get3A_0] : memref<128x10000xf32, #tpu.memory_space<vmem>>, vector<128x10000xf32>
    %transpose3A = tpu.transpose %get3A_1, [1, 0] : vector<128x10000xf32> -> vector<10000x128xf32>
    %swap3A = arith.constant 0 : index
    %swap3A_2 = arith.constant 0 : index
    %swap3A_3 = vector.load %arg1[%swap3A, %swap3A_2] : memref<10000x128xf32, #tpu.memory_space<vmem>>, vector<10000x128xf32>
    tpu.vector_store %arg1[%swap3A, %swap3A_2], %transpose3A {strides = array<i32>} : memref<10000x128xf32, #tpu.memory_space<vmem>>, vector<10000x128xf32>,
    return
  }
}

module attributes {stable_mosaic.version = 14 : i64} {
  func.func @_combine_body(%arg0: memref<2x10000x128xf32, #tpu.memory_space<vmem>>, %arg1: memref<128x10000xf32, #tpu.memory_space<vmem>>) attributes {dimension_semantics = [], scalar_prefetch = 0 : i64, scratch_operands = 0 : i64, tpu.core_type = #tpu.core_type<tc>} {
    %get3A = arith.constant 0 : index
    %get3A_0 = arith.constant 0 : index
    %get3A_1 = arith.constant 0 : index
    %get3A_2 = vector.load %arg0[%get3A, %get3A_0, %get3A_1] : memref<2x10000x128xf32, #tpu.memory_space<vmem>>, vector<1x10000x128xf32>
    %get3A_3 = vector.shape_cast %get3A_2 : vector<1x10000x128xf32> to vector<10000x128xf32>
    %get3A_4 = arith.constant 1 : index
    %get3A_5 = arith.constant 0 : index
    %get3A_6 = arith.constant 0 : index
    %get3A_7 = vector.load %arg0[%get3A_4, %get3A_5, %get3A_6] : memref<2x10000x128xf32, #tpu.memory_space<vmem>>, vector<1x10000x128xf32>
    %get3A_8 = vector.shape_cast %get3A_7 : vector<1x10000x128xf32> to vector<10000x128xf32>
    %add3A = arith.addf %get3A_3, %get3A_8 : vector<10000x128xf32>
    %transpose3A = tpu.transpose %add3A, [1, 0] : vector<10000x128xf32> -> vector<128x10000xf32>
    %swap3A = arith.constant 0 : index
    %swap3A_9 = arith.constant 0 : index
    %swap3A_10 = vector.load %arg1[%swap3A, %swap3A_9] : memref<128x10000xf32, #tpu.memory_space<vmem>>, vector<128x10000xf32>
    tpu.vector_store %arg1[%swap3A, %swap3A_9], %transpose3A {strides = array<i32>} : memref<128x10000xf32, #tpu.memory_space<vmem>>, vector<128x10000xf32>,
    return
  }
}

</mosaic_0001>

<sc_bundles>
// kernel: kernel.5.cloned.1.call-start
scs
__scs_entry_jumppad:
0x0: {  	(pc) =	sbr.rel $0x88, $3  }
0x1: {  	(tag) =	ssettag $0x0;
	lr =	simm.s32 $0x1  }
0x2: {  	[smem:$0x3F9F] =	sst lr;
	_ =	strace $0xD0000000  }
0x3: {  	_ = 	snop  }
0x4: {  	_ = 	snop  }
0x5: {  	_ = 	snop  }
0x6: {  	_ = 	snop  }
0x7: {  	_ = 	snop  }
__scs_overlays_trampoline_lowered:
0x8: {  	[smem:$0x3FAE] =	sst s0  }
0x9: {  	[smem:$0x3FAF] =	sst s1  }
0xa: {  	[smem:$0x3FB0] =	sst s2  }
0xb: {  	[smem:$0x3FB1] =	sst s3  }
0xc: {  	[smem:$0x3FB2] =	sst s4  }
0xd: {  	[smem:$0x3FB3] =	sst s5  }
0xe: {  	[smem:$0x3FB4] =	sst s6  }
0xf: {  	[smem:$0x3FB5] =	sst s7  }
0x10: {  	[smem:$0x3FB6] =	sst s8  }
0x11: {  	[smem:$0x3FB7] =	sst s9;
	s0 =	simm.s32 @!p0 $0x0  }
0x12: {  	s1 =	sld [smem:$0x3F9D];
	s0 =	simm.s32 @p0 $0x1  }
0x13: {  	[smem:$0x3FB8] =	sst s0;
	s0 =	simm.s32 @!p1 $0x0  }
0x14: {  	s2 =	sld [smem:$0x3F9C];
	s0 =	simm.s32 @p1 $0x1  }
0x15: {  	[smem:$0x3FB9] =	sst s0;
	s0 =	simm.s32 @!p2 $0x0  }
0x16: {  	s3 =	sld [smem:$0x3FDB];
	s0 =	simm.s32 @p2 $0x1  }
0x17: {  	s4 =	simm.s32 $0x1BF5;
	[smem:$0x3FBB] =	sst s0  }
0x18: {  	s0 =	sld [smem:$0x3F9E];
	_ =	swait.ge [sflag:s4], $0x0  }
0x19: {  	s7 =	sld [smem:$0x3F9F]  }
0x1a: {  	s8 =	sadd.s32 $0xFFFFE003, lr  }
0x1b: {  	s9 =	sadd.s32 $0xFFFFFEF7, lr;
	s5 =	simm.s32 $0xFFFFFFFF;
	p2 =	slt.u32 s8, $0xFFFFF086  }
0x1c: {  	p1 =	slt.u32 s9, $0xF7A;
	s5 =	simm.s32 @!p2 $0x0  }
0x1d: {  	s5 =	simm.s32 @p1 $0x1;
	p0 =	seq.s32 s7, s2  }
0x1e: {  	s7 =	smul.u32 @!p0 $0xF7A, s2;
	p2 =	seq.s32 @!p0 s5, $0x0  }
0x1f: {  	s9 =	smul.u32 $0xF7A, s1;
	s8 =	simm.s32 @!p0 $0x1BF5;
	p2 =	por !p2, p0  }
0x20: {  	[sflag:s8] =	ssyncset.s32 @!p0 $0xFFFFF086;
	s6 =	sadd.s32 @!p0 s3, s7;
	s7 =	simm.s32 @!p0 $0x108  }
0x21: {  	s3 =	sadd.s32 s3, s9;
	s6 =	sadd.s32 @!p0 $0x88, s6;
	s7 =	simm.s32 @p2 $0x1082  }
0x22: {  	[simem:s7], [sflag:s8] =	dma.local @!p0 [hbm:s6], $0xF7A  }
0x23: {  	s9 =	sor.u32 $0xD0000000, s2;
	s6 =	simm.s32 $0x108;
	_ =	swait.ge @!p0 [sflag:s8], $0x0  }
0x24: {  	s3 =	sadd.s32 $0x88, s3;
	s6 =	simm.s32 @!p1 $0x1082;
	[sflag:s4] =	ssyncset.s32 $0xFFFFF086  }
0x25: {  	[simem:s6], [sflag:s4] =	dma.local [hbm:s3], $0xF7A  }
0x26: {  	[smem:$0x3F9F] =	sst s1;
	(tag) =	ssettag s2;
	_ =	strace s9  }
0x27: {  	s1 =	sld [smem:$0x3FAF]  }
0x28: {  	s2 =	sld [smem:$0x3FB0]  }
0x29: {  	s4 =	sld [smem:$0x3FB2]  }
0x2a: {  	p0 =	seq.s32 s5, $0x0;
	s5 =	sld [smem:$0x3FB3]  }
0x2b: {  	s6 =	sld [smem:$0x3FB4]  }
0x2c: {  	s7 =	sld [smem:$0x3FB5]  }
0x2d: {  	s3 =	simm.s32 $0x108;
	s8 =	sld [smem:$0x3FB6]  }
0x2e: {  	s3 =	simm.s32 @!p0 $0x1082;
	s9 =	sld [smem:$0x3FB7]  }
0x2f: {  	lr =	sadd.s32 s0, s3;
	s0 =	sld [smem:$0x3FAE]  }
0x30: {  	s3 =	sld [smem:$0x3FB1]  }
0x31: {  	[smem:$0x3FBA] =	sst s10  }
0x32: {  	s10 =	sld [smem:$0x3FB8];
	_ =	sdelay $0x3  }
0x33: {  	p0 =	seq.s32 s10, $0x1;
	s10 =	sld [smem:$0x3FBA];
	_ =	sdelay $0x3  }
0x34: {  	[smem:$0x3FBA] =	sst s10  }
0x35: {  	s10 =	sld [smem:$0x3FB9];
	_ =	sdelay $0x3  }
0x36: {  	p1 =	seq.s32 s10, $0x1;
	s10 =	sld [smem:$0x3FBA];
	_ =	sdelay $0x3  }
0x37: {  	[smem:$0x3FBA] =	sst s10  }
0x38: {  	s10 =	sld [smem:$0x3FBB]  }
0x39: {  	_ = 	snop;
	(pc) =	sbr.ind lr, $3  }
0x3a: {  	_ = 	snop  }
0x3b: {  	_ = 	snop  }
0x3c: {  	p2 =	seq.s32 s10, $0x1;
	s10 =	sld [smem:$0x3FBA]  }
0x3d: {  	_ =	shalt  }
0x3e: {  	_ =	shalt  }
0x3f: {  	_ =	shalt  }
0x40: {  	_ =	shalt  }
0x41: {  	_ =	shalt  }
0x42: {  	_ =	shalt  }
0x43: {  	_ =	shalt  }
0x44: {  	_ =	shalt  }
0x45: {  	_ =	shalt  }
0x46: {  	_ =	shalt  }
0x47: {  	_ =	shalt  }
0x48: {  	_ =	shalt  }
0x49: {  	_ =	shalt  }
0x4a: {  	_ =	shalt  }
0x4b: {  	_ =	shalt  }
0x4c: {  	_ =	shalt  }
0x4d: {  	_ =	shalt  }
0x4e: {  	_ =	shalt  }
0x4f: {  	_ =	shalt  }
0x50: {  	_ =	shalt  }
0x51: {  	_ =	shalt  }
0x52: {  	_ =	shalt  }
0x53: {  	_ =	shalt  }
0x54: {  	_ =	shalt  }
0x55: {  	_ =	shalt  }
0x56: {  	_ =	shalt  }
0x57: {  	_ =	shalt  }
0x58: {  	_ =	shalt  }
0x59: {  	_ =	shalt  }
0x5a: {  	_ =	shalt  }
0x5b: {  	_ =	shalt  }
0x5c: {  	_ =	shalt  }
0x5d: {  	_ =	shalt  }
0x5e: {  	_ =	shalt  }
0x5f: {  	_ =	shalt  }
0x60: {  	_ =	shalt  }
0x61: {  	_ =	shalt  }
0x62: {  	_ =	shalt  }
0x63: {  	_ =	shalt  }
0x64: {  	_ =	shalt  }
0x65: {  	_ =	shalt  }
0x66: {  	_ =	shalt  }
0x67: {  	_ =	shalt  }
0x68: {  	_ =	shalt  }
0x69: {  	_ =	shalt  }
0x6a: {  	_ =	shalt  }
0x6b: {  	_ =	shalt  }
0x6c: {  	_ =	shalt  }
0x6d: {  	_ =	shalt  }
0x6e: {  	_ =	shalt  }
0x6f: {  	_ =	shalt  }
0x70: {  	_ =	shalt  }
0x71: {  	_ =	shalt  }
0x72: {  	_ =	shalt  }
0x73: {  	_ =	shalt  }
0x74: {  	_ =	shalt  }
0x75: {  	_ =	shalt  }
0x76: {  	_ =	shalt  }
0x77: {  	_ =	shalt  }
0x78: {  	_ =	shalt  }
0x79: {  	_ =	shalt  }
0x7a: {  	_ =	shalt  }
0x7b: {  	_ =	shalt  }
0x7c: {  	_ =	shalt  }
0x7d: {  	_ =	shalt  }
0x7e: {  	_ =	shalt  }
0x7f: {  	_ =	shalt  }
0x80: {  	_ =	shalt  }
0x81: {  	_ =	shalt  }
0x82: {  	_ =	shalt  }
0x83: {  	_ =	shalt  }
0x84: {  	_ =	shalt  }
0x85: {  	_ =	shalt  }
0x86: {  	_ =	shalt  }
0x87: {  	_ =	shalt  }
.Lfunc_end0:
.L_simem_size_0:
called_computation_lowered:
.L_overlay_start_0:
0x88: {  	s2 =	sld [smem:$0x3FD9]  }
0x89: {  	s3 =	sld [smem:$0x3FFE];
	_ =	sdelay $0x1  }
0x8a: {  	s1 =	srdreg.scid  }
0x8b: {  	s0 =	sand.u32 $0x1, s1  }
0x8c: {  	s17 =	sshll.u32 s0, $0xA;
	s2 =	sadd.s32 s3, s2  }
0x8d: {  	s2 =	sadd.s32 s2, s17  }
0x8e: {  	[smem:$0x3FC6] =	sst s2  }
0x8f: {  	_ = 	snop  }
0x90: {  	s2 =	sld [smem:$0x3FD0];
	(tm) =	ssettm $0x1  }
0x91: {  	s18 =	sld [smem:$0x3FFB];
	_ =	sdelay $0x3  }
0x92: {  	_ =	strace s18  }
0x93: {  	s3 =	sld [smem:$0x3FFC];
	_ =	sdelay $0x3  }
0x94: {  	_ =	strace s3  }
0x95: {  	s3 =	sld [smem:$0x3FFD];
	_ =	sdelay $0x3  }
0x96: {  	_ =	strace s3  }
0x97: {  	_ =	strace $0x8FFFFFFF  }
0x98: {  	s19 =	sld [smem:$0x3FDB];
	_ =	sdelay $0x1  }
0x99: {  	s4 =	simm.s32 $_scs_section_size  }
0x9a: {  	s5 =	simm.s32 $_size__tile_overlayer_lowered;
	s6 =	simm.s32 $_tile_overlayer_lowered  }
0x9b: {  	s22 =	simm.s32 $0x1BFF;
	s21 =	sshll.u32 s6, $0x1;
	s3 =	sadd.s32 s4, s19  }
0x9c: {  	s7 =	simm.s32 $0x0;
	s20 =	sshll.u32 s5, $0x1;
	s5 =	sadd.s32 s21, s3  }
0x9d: {  	[timem:s7], [sflag:s22] =	dma.local [hbm:s5], s20  }
0x9e: {  	_ =	swait.ge [sflag:s22], s20  }
0x9f: {  	s4 =	ssub.s32 $0x0, s20;
	[sflag:s22] =	ssyncset.done $0x0  }
0xa0: {  	[sflag:s22] =	ssyncadd.s32 s4;
	_ =	sdelay $0x1  }
0xa1: {  	s23 =	simm.s32 $0x1B8B  }
0xa2: {  	_ =	swait.ge [sflag:s23], $0x1  }
0xa3: {  	[sflag:s23] =	ssyncset.done $0x0  }
0xa4: {  	s25 =	simm.s32 $0x1B8E;
	s24 =	sld [smem:$0x3FFE];
	[sflag:s23] =	ssyncadd.s32 $0xFFFFFFFF  }
0xa5: {  	s26 =	simm.s32 $execute0_lowered;
	[smem:$0x3FD2] =	sst s25  }
0xa6: {  	s5 =	sshll.u32 s26, $0x1;
	_ =	strace $0x80000046;
	[dreg:$0x1] =	wrdreg $0xFFFFFFFF  }
0xa7: {  	s28 =	simm.s32 $_size_execute0_lowered;
	s3 =	sadd.s32 s3, s5;
	[dreg:$0x0] =	wrdreg $0x0  }
0xa8: {  	s5 =	sshll.u32 s28, $0x1;
	[dreg:$0x2] =	wrdreg s3  }
0xa9: {  	[dreg:$0x3] =	wrdreg s5  }
0xaa: {  	[dreg:$0x4] =	wrdreg $0xC0  }
0xab: {  	_ =	task [dreg:s7], $0x5FFFF  }
0xac: {  	[dreg:$0x1] =	wrdreg $0xFFFFFFFF  }
0xad: {  	[dreg:$0x0] =	wrdreg $0x60  }
0xae: {  	[dreg:$0x2] =	wrdreg s2  }
0xaf: {  	[dreg:$0x3] =	wrdreg s24  }
0xb0: {  	[dreg:$0x4] =	wrdreg $0xC7000  }
0xb1: {  	[dreg:$0x5] =	wrdreg $0x9  }
0xb2: {  	_ =	task.clear_ibuf [dreg:s7], $0x6FFFF;
	_ =	strace $0x90000046  }
0xb3: {  	s29 =	simm.s32 $0x9;
	_ =	strace $0x80000048  }
0xb4: {  	_ =	swait.ge [sflag:s29], $0x1  }
0xb5: {  	[sflag:s29] =	ssyncadd.s32 $0xFFFFFFFF  }
0xb6: {  	_ =	strace $0x90000048  }
0xb7: {  	_ =	sfence  }
0xb8: {  	s30 =	sld [smem:$0x0];
	_ =	sdelay $0x2  }
0xb9: {  	s31 =	sshll.u32 s1, $0xD;
	s1 =	sshrl.u32 s1, $0x2  }
0xba: {  	s3 =	sand.u32 $0x4000, s31;
	s1 =	sadd.s32 s1, s30  }
0xbb: {  	s0 =	sor.u32 s3, s0;
	s1 =	sshll.u32 s1, $0x11  }
0xbc: {  	s0 =	sor.u32 s1, s0  }
0xbd: {  	s0 =	sadd.s32 $0x8F2B, s0  }
0xbe: {  	[sflag:s0] =	ssyncadd.remote.s32 $0x1  }
0xbf: {  	_ =	sfence.sel $0xFFFF  }
0xc0: {  	[dreg:$0x0] =	wrdreg $0xFFFFFFFF;
	(pc) =	sbr.abs _section_cstart, $3  }
0xc1: {  	[dreg:$0x1] =	wrdreg $0xFFFFFFFF  }
0xc2: {  	_ =	task.clear_ibuf [dreg:s7], $0x2FFFF;
	_ =	strace $0x9FFFFFFF  }
0xc3: {  	(tm) =	ssettm $0x7FFFFFFF  }
tec
execute0_lowered:
.L_overlay_start_1:
0x0: {  	(tag) =	ssettag $0x1  }
0x1: {  	s0 =	rddreg [dreg:$0x0]  }
0x2: {  	s1 =	srdreg.scid;
	s4 =	rddreg [dreg:$0x1]  }
0x3: {  	s3 =	rddreg [dreg:$0x2];
	s2 =	stileid.u32  }
0x4: {  	s6 =	simm.s32 $0x0;
	s28 =	simm.s32 $0x7700;
	s29 =	simm.s32 $0x9F00  }
0x5: {  	s30 =	simm.s32 $0x8;
	s31 =	simm.s32 $0x2;
	s7 =	smul.u32 $0xA000, s2  }
0x6: {  	s1 =	sand.u32 $0x1, s1;
	[smem:$0x7FF] =	sst s6;
	s8 =	smul.u32 $0x50, s2  }
0x7: {  	s10 =	smul.u32 $0x500, s2;
	s16 =	sor.u32 $0x70, s2;
	p0 =	sgt.u32 s2, $0xC  }
0x8: {  	s5 =	sshll.u32 s1, $0x4;
	s18 =	smul.u32 $0x27100, s1;
	s1 =	ssub.s32 $0x2, s1  }
0x9: {  	_ =	strace $0x80000047;
	s5 =	sor.u32 s2, s5;
	s19 =	sshrl.u32 s1, $0x1  }
0xa: {  	s21 =	sshrl.u32 s7, $0x2;
	s22 =	sadd.s32 $0x500, s8;
	s9 =	sadd.s32 $0xA00, s8  }
0xb: {  	s12 =	sadd.s32 $0xF00, s8;
	s14 =	sadd.s32 $0x1400, s8;
	s24 =	sadd.s32 $0x1900, s8  }
0xc: {  	s8 =	sadd.s32 $0x1E00, s8;
	s5 =	smul.u32 $0x4E2, s5;
	s1 =	ssub.s32 s1, s19  }
0xd: {  	s23 =	sshll.u32 s22, $0x7;
	s11 =	sshll.u32 s9, $0x7;
	s6 =	sshll.u32 s22, $0x4  }
0xe: {  	s9 =	sshll.u32 s9, $0x4;
	s13 =	sshll.u32 s12, $0x7;
	s12 =	sshll.u32 s12, $0x4  }
0xf: {  	s15 =	sshll.u32 s14, $0x7;
	s17 =	sshll.u32 s24, $0x7;
	s14 =	sshll.u32 s14, $0x4  }
0x10: {  	s25 =	sshll.u32 s8, $0x7;
	s8 =	sshll.u32 s8, $0x4;
	s7 =	sadd.s32 s23, s3  }
0x11: {  	s11 =	sadd.s32 s11, s3;
	s13 =	sadd.s32 s13, s3;
	s22 =	sadd.s32 s15, s3  }
0x12: {  	s23 =	sadd.s32 s17, s3;
	s15 =	sshll.u32 s24, $0x4;
	s1 =	smax.u32 s1, $0x1  }
0x13: {  	s5 =	sadd.s32 s5, s4;
	s4 =	sadd.s32 s18, s4;
	s18 =	smul.u32 $0xA000, s16  }
0x14: {  	s24 =	sadd.s32 s25, s3;
	s16 =	smul.u32 $0x500, s16;
	[dreg:$0x6] =	wrdreg s1  }
0x15: {  	s22 =	sshrl.u32 s22, $0x3;
	s23 =	sshrl.u32 s23, $0x3;
	s20 =	sadd.s32 $0xA000, s5  }
0x16: {  	s24 =	sshrl.u32 s24, $0x3;
	s5 =	sadd.s32 $0x200, s5;
	[dreg:$0x4] =	wrdreg s20  }
0x17: {  	s1 =	simm.s32 $0x4F00;
	s4 =	sadd.s32 $0x13E00, s4;
	[dreg:$0x5] =	wrdreg s5  }
0x18: {  	s5 =	sadd.s32 s21, s3;
	s26 =	sshrl.u32 s18, $0x2;
	s17 =	sadd.s32 s10, s4  }
0x19: {  	s18 =	sadd.s32 s6, s4;
	s19 =	sadd.s32 s9, s4;
	[dreg:$0x7] =	wrdreg s17  }
0x1a: {  	s20 =	sadd.s32 s12, s4;
	s21 =	sadd.s32 s14, s4;
	[dreg:$0x8] =	wrdreg s18  }
0x1b: {  	s16 =	sadd.s32 @!p0 s16, s4;
	s6 =	simm.s32 $0x1;
	[dreg:$0x9] =	wrdreg s19  }
0x1c: {  	s9 =	simm.s32 $0x0;
	s25 =	sadd.s32 s26, s3;
	[dreg:$0xa] =	wrdreg s20  }
0x1d: {  	[dreg:$0xb] =	wrdreg s21;
	s26 =	sadd.s32 s15, s4;
	s15 =	sadd.s32 s8, s4  }
0x1e: {  	s17 =	simm.s32 $0x7;
	s18 =	sshrl.u32 s5, $0x3;
	s19 =	sshrl.u32 s7, $0x3  }
0x1f: {  	s20 =	sshrl.u32 s11, $0x3;
	s21 =	sshrl.u32 s13, $0x3;
	s4 =	simm.s32 $0x3  }
0x20: {  	s5 =	simm.s32 $0x5;
	s8 =	simm.s32 $0x6;
	s7 =	simm.s32 $0x4  }
0x21: {  	v0 =	vimm.f32 $0.0e+00;
	[dreg:$0xc] =	wrdreg s26;
	s25 =	sshrl.u32 @!p0 s25, $0x3;
	s26 =	simm.s32 $0x50  }
.LBB2_1:
0x22: {  	s10 =	simm.s32 $0x0;
	s11 =	rddreg [dreg:$0x4]  }
0x23: {  	[tilespmem:s10], [sflag:$0x7] =	stream.linear.gather [hbm4b:s11+s10], $0x2710, $0x38;
	[tilespmem:$0x1FF80] =	vst v63  }
0x24: {  	s14 =	rddreg [dreg:$0x5];
	s12 =	simm.s32 $0x2780  }
0x25: {  	[tilespmem:s12], [sflag:$0x8] =	stream.linear.gather [hbm4b:s14+s10], $0x2710, $0x38;
	[tilespmem:$0x1FF80] =	vst v63  }
0x26: {  	s11 =	simm.s32 $0x3C0;
	s10 =	simm.s32 $0x70  }
.LBB2_2:
0x27: {  	p1 =	sne.s32 s11, $0x9FC0;
	[tilespmem:s10+$0x4F00] =	vst v0  }
0x28: {  	[tilespmem:s10+$0x4E90] =	vst v0  }
0x29: {  	[tilespmem:s10+$0x4EA0] =	vst v0  }
.Ltmp0:
0x2a: {  	[tilespmem:s10+$0x4EB0] =	vst v0;
	(pc) =	sbr.rel @p1 .LBB2_2-.Ltmp0, $4  }
0x2b: {  	[tilespmem:s10+$0x4EC0] =	vst v0  }
0x2c: {  	[tilespmem:s10+$0x4ED0] =	vst v0  }
0x2d: {  	[tilespmem:s10+$0x4EE0] =	vst v0  }
0x2e: {  	[tilespmem:s10+$0x4EF0] =	vst v0;
	s10 =	sshra.s32 s11, $0x2;
	s11 =	sadd.s32 $0x200, s11  }
0x2f: {  	[tilespmem:s10+$0x4F00] =	vst v0  }
0x30: {  	[tilespmem:s10+$0x4E90] =	vst v0  }
0x31: {  	[tilespmem:s10+$0x4EA0] =	vst v0  }
0x32: {  	[tilespmem:s10+$0x4EB0] =	vst v0  }
0x33: {  	[tilespmem:s10+$0x4EC0] =	vst v0  }
0x34: {  	[tilespmem:s10+$0x4ED0] =	vst v0  }
0x35: {  	[tilespmem:s10+$0x4EE0] =	vst v0  }
0x36: {  	[tilespmem:s10+$0x4EF0] =	vst v0  }
0x37: {  	_ =	swait.ge [sflag:s17], $0x2710  }
0x38: {  	s14 =	simm.s32 $0x0;
	[sflag:s17] =	ssyncset.done $0x0  }
0x39: {  	s10 =	sand.u32 $0xF, s14;
	[sflag:s17] =	ssyncadd.s32 $0xFFFFD8F0  }
0x3a: {  	[tilespmem:s28], [sflag:$0x2] =	stream.indirect.gather [hbm4b:s0+s26], $0x80, s14, s26, $0xb8;
	[tilespmem:$0x1FF80] =	vst v63  }
0x3b: {  	p1 =	sne.s32 s10, s2  }
0x3c: {  	[tilespmem:s29], [sflag:$0x3] =	stream.indirect.gather [hbm4b:s0+s26], $0x80, s26, s26, $0xb8;
	[tilespmem:$0x1FF80] =	vst v63  }
0x3d: {  	s10 =	simm.s32 @!p1 $0x4F00;
	s13 =	simm.s32 @!p1 $0x9  }
0x3e: {  	[spmem:s3] =	stream.linear.scatter @!p1 [tilespmem:s10], [sflag:$0x9], $0x2800, $0x38;
	[tilespmem:$0x1FF80] =	vst v63  }
0x3f: {  	s11 =	simm.s32 $0x1;
	_ =	swait.ge @!p1 [sflag:s13], $0x2800  }
0x40: {  	s12 =	simm.s32 $0x2;
	s10 =	sadd.s32 $0x2800, s3;
	[sflag:s13] =	ssyncset.done @!p1 $0x0  }
.LBB2_4:
0x41: {  	s14 =	sand.u32 $0xF, s11;
	s11 =	smov.u32 s12;
	s12 =	sadd.s32 $0x1, s12  }
0x42: {  	[sflag:s13] =	ssyncadd.s32 @!p1 $0xFFFFD800;
	p2 =	sne.s32 s12, $0x7D  }
.Ltmp1:
0x43: {  	p1 =	sne.s32 s14, s2;
	(pc) =	sbr.rel @p2 .LBB2_4-.Ltmp1, $4  }
0x44: {  	s14 =	simm.s32 @!p1 $0x4F00;
	s13 =	simm.s32 @!p1 $0x9  }
0x45: {  	[spmem:s10] =	stream.linear.scatter @!p1 [tilespmem:s14], [sflag:$0x9], $0x2800, $0x38;
	[tilespmem:$0x1FF80] =	vst v63  }
0x46: {  	_ =	swait.ge @!p1 [sflag:s13], $0x2800  }
0x47: {  	s10 =	sadd.s32 $0x2800, s10;
	[sflag:s13] =	ssyncset.done @!p1 $0x0  }
0x48: {  	s11 =	sand.u32 $0xF, s11  }
0x49: {  	p2 =	sne.s32 s11, s2  }
0x4a: {  	[sflag:s13] =	ssyncadd.s32 @!p1 $0xFFFFD800;
	s11 =	simm.s32 @!p2 $0x4F00;
	s12 =	simm.s32 @!p2 $0x9  }
0x4b: {  	[spmem:s10] =	stream.linear.scatter @!p2 [tilespmem:s11], [sflag:$0x9], $0x2800, $0x38;
	[tilespmem:$0x1FF80] =	vst v63  }
0x4c: {  	_ =	swait.ge @!p2 [sflag:s12], $0x2800  }
0x4d: {  	[sflag:s12] =	ssyncset.done @!p2 $0x0  }
0x4e: {  	[sflag:s12] =	ssyncadd.s32 @!p2 $0xFFFFD800  }
0x4f: {  	_ =	swait.ge [sflag:s30], $0x2710  }
0x50: {  	[sflag:s30] =	ssyncset.done $0x0  }
0x51: {  	[sflag:s30] =	ssyncadd.s32 $0xFFFFD8F0  }
0x52: {  	[bflag:$0x0] =	sbarrier.arrive $0xFFFF  }
0x53: {  	_ =	swait.ge [sflag:s31], $0x2800  }
0x54: {  	[sflag:s31] =	ssyncset.done $0x0  }
0x55: {  	s12 =	simm.s32 $0x2780;
	[sflag:s31] =	ssyncadd.s32 $0xFFFFD800  }
0x56: {  	[spmem:s3] =	stream.indirect.scatter.add.f32 [tilespmem:s28], [sflag:$0x5], $0x80, s12, s26, $0xb8;
	[tilespmem:$0x1FF80] =	vst v63  }
0x57: {  	s13 =	simm.s32 $0xA0  }
0x58: {  	[tilespmem:s1], [sflag:$0x1] =	stream.indirect.gather [hbm4b:s0+s26], $0x80, s13, s26, $0xb8;
	[tilespmem:$0x1FF80] =	vst v63  }
0x59: {  	_ =	swait.ge [sflag:s4], $0x2800  }
0x5a: {  	[sflag:s4] =	ssyncset.done $0x0  }
0x5b: {  	s14 =	simm.s32 $0x27D0;
	[sflag:s4] =	ssyncadd.s32 $0xFFFFD800  }
0x5c: {  	[spmem:s3] =	stream.indirect.scatter.add.f32 [tilespmem:s29], [sflag:$0x6], $0x80, s14, s26, $0xb8;
	[tilespmem:$0x1FF80] =	vst v63  }
0x5d: {  	_ =	swait.ge [sflag:s5], $0x2800  }
0x5e: {  	[sflag:s5] =	ssyncset.done $0x0  }
0x5f: {  	s11 =	simm.s32 $0xF0;
	[sflag:s5] =	ssyncadd.s32 $0xFFFFD800  }
0x60: {  	[tilespmem:s28], [sflag:$0x2] =	stream.indirect.gather [hbm4b:s0+s26], $0x80, s11, s26, $0xb8;
	[tilespmem:$0x1FF80] =	vst v63  }
0x61: {  	_ =	swait.ge [sflag:s6], $0x2800  }
0x62: {  	[sflag:s6] =	ssyncset.done $0x0  }
0x63: {  	s12 =	simm.s32 $0x2820;
	[sflag:s6] =	ssyncadd.s32 $0xFFFFD800  }
0x64: {  	[spmem:s3] =	stream.indirect.scatter.add.f32 [tilespmem:s1], [sflag:$0x4], $0x80, s12, s26, $0xb8;
	[tilespmem:$0x1FF80] =	vst v63  }
0x65: {  	_ =	swait.ge [sflag:s8], $0x2800  }
0x66: {  	[sflag:s8] =	ssyncset.done $0x0  }
0x67: {  	s13 =	simm.s32 $0x140;
	[sflag:s8] =	ssyncadd.s32 $0xFFFFD800  }
0x68: {  	[tilespmem:s29], [sflag:$0x3] =	stream.indirect.gather [hbm4b:s0+s26], $0x80, s13, s26, $0xb8;
	[tilespmem:$0x1FF80] =	vst v63  }
0x69: {  	_ =	swait.ge [sflag:s31], $0x2800  }
0x6a: {  	[sflag:s31] =	ssyncset.done $0x0  }
0x6b: {  	s14 =	simm.s32 $0x2870;
	[sflag:s31] =	ssyncadd.s32 $0xFFFFD800  }
0x6c: {  	[spmem:s3] =	stream.indirect.scatter.add.f32 [tilespmem:s28], [sflag:$0x5], $0x80, s14, s26, $0xb8;
	[tilespmem:$0x1FF80] =	vst v63  }
0x6d: {  	_ =	swait.ge [sflag:s7], $0x2800  }
0x6e: {  	[sflag:s7] =	ssyncset.done $0x0  }
0x6f: {  	s11 =	simm.s32 $0x190;
	[sflag:s7] =	ssyncadd.s32 $0xFFFFD800  }
0x70: {  	[tilespmem:s1], [sflag:$0x1] =	stream.indirect.gather [hbm4b:s0+s26], $0x80, s11, s26, $0xb8;
	[tilespmem:$0x1FF80] =	vst v63  }
0x71: {  	_ =	swait.ge [sflag:s4], $0x2800  }
0x72: {  	[sflag:s4] =	ssyncset.done $0x0  }
0x73: {  	s12 =	simm.s32 $0x28C0;
	[sflag:s4] =	ssyncadd.s32 $0xFFFFD800  }
0x74: {  	[spmem:s3] =	stream.indirect.scatter.add.f32 [tilespmem:s29], [sflag:$0x6], $0x80, s12, s26, $0xb8;
	[tilespmem:$0x1FF80] =	vst v63  }
0x75: {  	_ =	swait.ge [sflag:s5], $0x2800  }
0x76: {  	[sflag:s5] =	ssyncset.done $0x0  }
0x77: {  	s13 =	simm.s32 $0x1E0;
	[sflag:s5] =	ssyncadd.s32 $0xFFFFD800  }
0x78: {  	[tilespmem:s28], [sflag:$0x2] =	stream.indirect.gather [hbm4b:s0+s26], $0x80, s13, s26, $0xb8;
	[tilespmem:$0x1FF80] =	vst v63  }
0x79: {  	_ =	swait.ge [sflag:s6], $0x2800  }
0x7a: {  	[sflag:s6] =	ssyncset.done $0x0  }
0x7b: {  	s14 =	simm.s32 $0x2910;
	[sflag:s6] =	ssyncadd.s32 $0xFFFFD800  }
0x7c: {  	[spmem:s3] =	stream.indirect.scatter.add.f32 [tilespmem:s1], [sflag:$0x4], $0x80, s14, s26, $0xb8;
	[tilespmem:$0x1FF80] =	vst v63  }
0x7d: {  	_ =	swait.ge [sflag:s8], $0x2800  }
0x7e: {  	[sflag:s8] =	ssyncset.done $0x0  }
0x7f: {  	s10 =	simm.s32 $0x3C0;
	s11 =	simm.s32 $0x230;
	[sflag:s8] =	ssyncadd.s32 $0xFFFFD800  }
.LBB2_6:
0x80: {  	[tilespmem:s29], [sflag:$0x3] =	stream.indirect.gather [hbm4b:s0+s26], $0x80, s11, s26, $0xb8;
	[tilespmem:$0x1FF80] =	vst v63  }
0x81: {  	s11 =	smov.u32 s10  }
0x82: {  	p1 =	sne.s32 s10, $0x9240;
	s10 =	sadd.s32 $0x3C0, s10;
	_ =	swait.ge [sflag:s31], $0x2800  }
0x83: {  	s11 =	sshra.s32 s11, $0x2;
	[sflag:s31] =	ssyncset.done $0x0  }
0x84: {  	s12 =	sadd.s32 $0x2870, s11;
	[sflag:s31] =	ssyncadd.s32 $0xFFFFD800  }
0x85: {  	[spmem:s3] =	stream.indirect.scatter.add.f32 [tilespmem:s28], [sflag:$0x5], $0x80, s12, s26, $0xb8;
	[tilespmem:$0x1FF80] =	vst v63  }
0x86: {  	_ =	swait.ge [sflag:s7], $0x2800  }
0x87: {  	[sflag:s7] =	ssyncset.done $0x0  }
0x88: {  	s12 =	sadd.s32 $0x190, s11;
	[sflag:s7] =	ssyncadd.s32 $0xFFFFD800  }
0x89: {  	[tilespmem:s1], [sflag:$0x1] =	stream.indirect.gather [hbm4b:s0+s26], $0x80, s12, s26, $0xb8;
	[tilespmem:$0x1FF80] =	vst v63  }
0x8a: {  	_ =	swait.ge [sflag:s4], $0x2800  }
0x8b: {  	[sflag:s4] =	ssyncset.done $0x0  }
0x8c: {  	s12 =	sadd.s32 $0x28C0, s11;
	[sflag:s4] =	ssyncadd.s32 $0xFFFFD800  }
0x8d: {  	[spmem:s3] =	stream.indirect.scatter.add.f32 [tilespmem:s29], [sflag:$0x6], $0x80, s12, s26, $0xb8;
	[tilespmem:$0x1FF80] =	vst v63  }
0x8e: {  	_ =	swait.ge [sflag:s5], $0x2800  }
0x8f: {  	[sflag:s5] =	ssyncset.done $0x0  }
0x90: {  	s12 =	sadd.s32 $0x1E0, s11;
	[sflag:s5] =	ssyncadd.s32 $0xFFFFD800  }
0x91: {  	[tilespmem:s28], [sflag:$0x2] =	stream.indirect.gather [hbm4b:s0+s26], $0x80, s12, s26, $0xb8;
	[tilespmem:$0x1FF80] =	vst v63  }
0x92: {  	_ =	swait.ge [sflag:s6], $0x2800  }
0x93: {  	[sflag:s6] =	ssyncset.done $0x0  }
.Ltmp2:
0x94: {  	s12 =	sadd.s32 $0x2910, s11;
	[sflag:s6] =	ssyncadd.s32 $0xFFFFD800;
	(pc) =	sbr.rel @p1 .LBB2_6-.Ltmp2, $4  }
0x95: {  	[spmem:s3] =	stream.indirect.scatter.add.f32 [tilespmem:s1], [sflag:$0x4], $0x80, s12, s26, $0xb8;
	[tilespmem:$0x1FF80] =	vst v63  }
0x96: {  	_ =	swait.ge [sflag:s8], $0x2800  }
0x97: {  	[sflag:s8] =	ssyncset.done $0x0  }
0x98: {  	s11 =	sadd.s32 $0x230, s11;
	[sflag:s8] =	ssyncadd.s32 $0xFFFFD800  }
0x99: {  	[tilespmem:s29], [sflag:$0x3] =	stream.indirect.gather [hbm4b:s0+s26], $0x80, s11, s26, $0xb8;
	[tilespmem:$0x1FF80] =	vst v63  }
0x9a: {  	_ =	swait.ge [sflag:s31], $0x2800  }
0x9b: {  	[sflag:s31] =	ssyncset.done $0x0  }
0x9c: {  	s10 =	simm.s32 $0x4DF0;
	[sflag:s31] =	ssyncadd.s32 $0xFFFFD800  }
0x9d: {  	[spmem:s3] =	stream.indirect.scatter.add.f32 [tilespmem:s28], [sflag:$0x5], $0x80, s10, s26, $0xb8;
	[tilespmem:$0x1FF80] =	vst v63  }
0x9e: {  	_ =	swait.ge [sflag:s4], $0x2800  }
0x9f: {  	[sflag:s4] =	ssyncset.done $0x0  }
0xa0: {  	s13 =	simm.s32 $0x4E40;
	[sflag:s4] =	ssyncadd.s32 $0xFFFFD800  }
0xa1: {  	[spmem:s3] =	stream.indirect.scatter.add.f32 [tilespmem:s29], [sflag:$0x6], $0x80, s13, s26, $0xb8;
	[tilespmem:$0x1FF80] =	vst v63  }
0xa2: {  	_ =	swait.ge [sflag:s7], $0x2800  }
0xa3: {  	[sflag:s7] =	ssyncset.done $0x0  }
0xa4: {  	[sflag:s7] =	ssyncadd.s32 $0xFFFFD800  }
0xa5: {  	_ =	swait.ge [sflag:s5], $0x2800  }
0xa6: {  	[sflag:s5] =	ssyncset.done $0x0  }
0xa7: {  	[sflag:s5] =	ssyncadd.s32 $0xFFFFD800  }
0xa8: {  	_ =	swait.ge [sflag:s8], $0x2800  }
0xa9: {  	[sflag:s8] =	ssyncset.done $0x0  }
0xaa: {  	[sflag:s8] =	ssyncadd.s32 $0xFFFFD800  }
0xab: {  	s14 =	sshll.u32 s2, $0x6;
	[bflag:$0x0] =	sbarrier.arrive $0xFFFF  }
0xac: {  	s11 =	sor.u32 $0x1C01, s14;
	s12 =	rddreg [dreg:$0x7]  }
0xad: {  	[hbm:s12], [sflag:s11] =	dma.local [spmem:s18], $0x500  }
0xae: {  	s12 =	sor.u32 $0x1C02, s14;
	s13 =	rddreg [dreg:$0x8]  }
0xaf: {  	[hbm:s13], [sflag:s12] =	dma.local [spmem:s19], $0x500  }
0xb0: {  	s10 =	sor.u32 $0x1C03, s14;
	s13 =	rddreg [dreg:$0x9]  }
0xb1: {  	[hbm:s13], [sflag:s10] =	dma.local [spmem:s20], $0x500  }
0xb2: {  	_ =	swait.ge [sflag:s6], $0x500  }
0xb3: {  	[sflag:s6] =	ssyncset.done $0x0  }
0xb4: {  	s14 =	rddreg [dreg:$0xa];
	[sflag:s6] =	ssyncadd.s32 $0xFFFFFB00  }
0xb5: {  	[hbm:s14], [sflag:s11] =	dma.local [spmem:s21], $0x500  }
0xb6: {  	_ =	swait.ge [sflag:s31], $0x500  }
0xb7: {  	[sflag:s31] =	ssyncset.done $0x0  }
0xb8: {  	s14 =	rddreg [dreg:$0xb];
	[sflag:s31] =	ssyncadd.s32 $0xFFFFFB00  }
0xb9: {  	[hbm:s14], [sflag:s12] =	dma.local [spmem:s22], $0x500  }
0xba: {  	_ =	swait.ge [sflag:s4], $0x500  }
0xbb: {  	[sflag:s4] =	ssyncset.done $0x0  }
0xbc: {  	s14 =	rddreg [dreg:$0xc];
	[sflag:s4] =	ssyncadd.s32 $0xFFFFFB00  }
0xbd: {  	[hbm:s14], [sflag:s10] =	dma.local [spmem:s23], $0x500  }
0xbe: {  	_ =	swait.ge [sflag:s6], $0x500  }
0xbf: {  	[sflag:s6] =	ssyncset.done $0x0  }
0xc0: {  	[sflag:s6] =	ssyncadd.s32 $0xFFFFFB00  }
0xc1: {  	[hbm:s15], [sflag:s11] =	dma.local [spmem:s24], $0x500  }
0xc2: {  	_ =	swait.ge [sflag:s31], $0x500  }
0xc3: {  	[sflag:s31] =	ssyncset.done $0x0  }
0xc4: {  	s10 =	simm.s32 @!p0 $0x3;
	[sflag:s31] =	ssyncadd.s32 $0xFFFFFB00  }
0xc5: {  	[hbm:s16], [sflag:s12] =	dma.local @!p0 [spmem:s25], $0x500  }
0xc6: {  	_ =	swait.ge @!p0 [sflag:s10], $0x500  }
0xc7: {  	s11 =	simm.s32 @!p0 $0x1;
	[sflag:s10] =	ssyncset.done @!p0 $0x0  }
0xc8: {  	s11 =	simm.s32 @p0 $0x3;
	[sflag:s10] =	ssyncadd.s32 @!p0 $0xFFFFFB00  }
0xc9: {  	_ =	swait.ge [sflag:s11], $0x500  }
0xca: {  	s10 =	simm.s32 @!p0 $0x2;
	[sflag:s11] =	ssyncset.done $0x0  }
0xcb: {  	s10 =	simm.s32 @p0 $0x1;
	[sflag:s11] =	ssyncadd.s32 $0xFFFFFB00  }
0xcc: {  	_ =	swait.ge [sflag:s10], $0x500  }
0xcd: {  	s9 =	sadd.s32 $0x1, s9;
	s14 =	rddreg [dreg:$0x6]  }
0xce: {  	p1 =	sne.s32 s9, s14  }
.Ltmp3:
0xcf: {  	_ = 	snop;
	(pc) =	sbr.rel @p1 .LBB2_1-.Ltmp3, $3  }
0xd0: {  	_ =	sdelay $0x1  }
0xd1: {  	[sflag:s10] =	ssyncset.done $0x0  }
0xd2: {  	[sflag:s10] =	ssyncadd.s32 $0xFFFFFB00  }
0xd3: {  	_ =	sfence.sel $0x180000  }
0xd4: {  	[bflag:$0x0] =	sbarrier.arrive $0xFFFF  }
0xd5: {  	_ =	strace $0x90000047  }
0xd6: {  	[bflag:$0x2] =	sbarrier.arrive $0xFFFF  }
0xd7: {  	p0 =	sne.s32 s2, $0x0;
	s0 =	rddreg [dreg:$0x3]  }
0xd8: {  	s0 =	sadd.s32 @!p0 $0x100000, s0  }
0xd9: {  	[sflag:s0] =	ssyncadd.tile.s32 @!p0 $0x1;
	_ =	shalt  }
.Lfunc_end2:
_tile_overlayer_lowered:
.L_overlay_start_2:
0xda: {  	(tag) =	ssettag $0x2  }
0xdb: {  	s0 =	rddreg [dreg:$0x0];
	s2 =	stileid.u32  }
0xdc: {  	s1 =	rddreg [dreg:$0x1];
	p0 =	sne.s32 s2, $0x0  }
0xdd: {  	s3 =	rddreg [dreg:$0x2];
	[bflag:$0x3] =	sbarrier.arrive $0xFFFF;
	s2 =	simm.s32 @!p0 $0x1C09  }
0xde: {  	[timem:s3], [sflag:s2] =	dma.local @!p0 [hbm:s0], s1  }
0xdf: {  	s0 =	simm.s32 @!p0 $0x9  }
0xe0: {  	_ =	swait.ge @!p0 [sflag:s0], s1  }
0xe1: {  	s1 =	ssub.s32 @!p0 $0x0, s1;
	[sflag:s0] =	ssyncset.done @!p0 $0x0  }
0xe2: {  	[sflag:s0] =	ssyncadd.s32 @!p0 s1  }
0xe3: {  	[bflag:$0x3] =	sbarrier.arrive $0xFFFF  }
0xe4: {  	_ =	shalt  }

</sc_bundles>
